<compile_context>
chip_gen: v7x
topology: tpu7x:2x2x1
jax: 0.10.2.dev20260603
libtpu: 0.0.44.dev20260713+nightly
codegen_flags: <defaults>
</compile_context>

<pallas_src>
import jax
import jax.numpy as jnp
import numpy as np
from jax import lax
from jax.experimental import pallas as pl
from jax.experimental.pallas import tpu as pltpu
from jax.experimental.pallas import tpu_sc as plsc
from jax._src.random.threefry2x32 import threefry2x32_p

KC = 64
LANES = 16
NCORES = 2
NSUB = 16
NW = NCORES * NSUB
BB = 4
NN = 65536
CPB = NW // BB
CH = NN // CPB
GROUPS = CH // LANES
ACC = KC * LANES
EW = 2 * KC


def _reduce_lanes(ref, colbase, off):
    def body(c, acc):
        return acc + plsc.load_gather(ref, [colbase + (off + c)])
    return lax.fori_loop(1, LANES, body, plsc.load_gather(ref, [colbase + off]))


def _combine_partials(s, b, part_v, tmp_v, shp, out_hbm, nvec):
    width = nvec * LANES
    pltpu.sync_copy(part_v, shp.at[pl.ds(s * width, width)])
    plsc.subcore_barrier()

    @pl.when(s % CPB == 0)
    def _():
        pltpu.sync_copy(shp.at[pl.ds(s * width, CPB * width)], tmp_v)

        def vbody(v, carry):
            def jbody(j, acc):
                return acc + tmp_v[pl.ds(j * width + v * LANES, LANES)]
            part_v[pl.ds(v * LANES, LANES)] = lax.fori_loop(
                1, CPB, jbody, tmp_v[pl.ds(v * LANES, LANES)])
            return carry

        lax.fori_loop(0, nvec, vbody, 0)
        pltpu.sync_copy(part_v.at[pl.ds(0, width)], out_hbm.at[b])


def _counts_body(zs_hbm, out_hbm, zs_v, cnt_v, part_v, tmp_v, shp):
    s = lax.axis_index("s")
    wid = lax.axis_index("c") * NSUB + s
    b = wid // CPB
    start = (wid % CPB) * CH

    pltpu.sync_copy(zs_hbm.at[b, pl.ds(start, CH)], zs_v)

    lane = lax.iota(jnp.int32, LANES)
    colbase = lane * LANES
    zeros = jnp.zeros((LANES,), jnp.float32)
    ones = jnp.ones((LANES,), jnp.float32)

    @plsc.parallel_loop(0, ACC // LANES, unroll=4)
    def _(i):
        cnt_v[pl.ds(i * LANES, LANES)] = zeros

    @plsc.parallel_loop(0, GROUPS, unroll=4)
    def _(i):
        z = zs_v[pl.ds(i * LANES, LANES)]
        plsc.addupdate_scatter(cnt_v, [z * LANES + lane], ones)

    for ch in range(KC // LANES):
        v = _reduce_lanes(cnt_v, colbase, ch * LANES * LANES)
        idx = lane * 2 + (ch * 2 * LANES)
        plsc.store_scatter(part_v, [idx], v)
        plsc.store_scatter(part_v, [idx + 1], v)

    _combine_partials(s, b, part_v, tmp_v, shp, out_hbm, EW // LANES)


def _sums_body(zs_hbm, x0_hbm, x1_hbm, out_hbm,
               zs_v, x0_v, x1_v, sx0_v, sx1_v, sq0_v, sq1_v, part_v, tmp_v, shp):
    s = lax.axis_index("s")
    wid = lax.axis_index("c") * NSUB + s
    b = wid // CPB
    start = (wid % CPB) * CH

    pltpu.sync_copy(zs_hbm.at[b, pl.ds(start, CH)], zs_v)
    pltpu.sync_copy(x0_hbm.at[b, pl.ds(start, CH)], x0_v)
    pltpu.sync_copy(x1_hbm.at[b, pl.ds(start, CH)], x1_v)

    lane = lax.iota(jnp.int32, LANES)
    colbase = lane * LANES
    zeros = jnp.zeros((LANES,), jnp.float32)

    @plsc.parallel_loop(0, ACC // LANES, unroll=4)
    def _(i):
        sl = pl.ds(i * LANES, LANES)
        sx0_v[sl] = zeros
        sx1_v[sl] = zeros
        sq0_v[sl] = zeros
        sq1_v[sl] = zeros

    @plsc.parallel_loop(0, GROUPS, unroll=4)
    def _(i):
        sl = pl.ds(i * LANES, LANES)
        z = zs_v[sl]
        x0 = x0_v[sl]
        x1 = x1_v[sl]
        idx = z * LANES + lane
        plsc.addupdate_scatter(sx0_v, [idx], x0)
        plsc.addupdate_scatter(sx1_v, [idx], x1)
        plsc.addupdate_scatter(sq0_v, [idx], x0 * x0)
        plsc.addupdate_scatter(sq1_v, [idx], x1 * x1)

    for ch in range(KC // LANES):
        off = ch * LANES * LANES
        base = ch * 2 * LANES
        idx = lane * 2 + base
        plsc.store_scatter(part_v, [idx], _reduce_lanes(sx0_v, colbase, off))
        plsc.store_scatter(part_v, [idx + 1], _reduce_lanes(sx1_v, colbase, off))
        plsc.store_scatter(part_v, [idx + EW], _reduce_lanes(sq0_v, colbase, off))
        plsc.store_scatter(part_v, [idx + EW + 1], _reduce_lanes(sq1_v, colbase, off))

    _combine_partials(s, b, part_v, tmp_v, shp, out_hbm, 2 * EW // LANES)



_F3 = np.float32(1.0 / 3.0)
_SQUEEZE = np.float32(0.0331)
_NLO = np.nextafter(np.float32(-1.0), np.float32(0.0), dtype=np.float32)
_SQRT2 = np.float32(np.sqrt(2.0))


def _tf(k0, k1, c0, c1):
    return threefry2x32_p.bind(k0, k1, c0, c1)


def _skey(k0, k1, j):
    r = _tf(k0, k1, jnp.zeros_like(k0), jnp.full_like(k0, j))
    return r[0], r[1]


def _rbits(k0, k1):
    r = _tf(k0, k1, jnp.zeros_like(k0), jnp.zeros_like(k0))
    return r[0] ^ r[1]


def _runif(k0, k1, lo, hi):
    bits = _rbits(k0, k1)
    fb = lax.shift_right_logical(bits, jnp.uint32(9)) | jnp.uint32(0x3F800000)
    f = lax.bitcast_convert_type(fb, jnp.float32) - np.float32(1.0)
    return lax.max(jnp.full_like(f, lo), f * (hi - lo) + lo)


def _rnormal(k0, k1):
    u = _runif(k0, k1, _NLO, np.float32(1.0))
    return _SQRT2 * lax.erf_inv(u)


def _gamma_body(nks_ref, cc_ref, k0_ref, k1_ref, gam_ref):
    nks = nks_ref[...]
    shape = nks.shape
    cc = jnp.broadcast_to(cc_ref[...], shape)
    k0 = k0_ref[...]
    k1 = k1_ref[...]

    conc = cc + nks / np.float32(2.0)

    alpha_orig = conc
    boost_mask = conc >= np.float32(1.0)
    alpha = jnp.where(boost_mask, conc, conc + np.float32(1.0))
    d = alpha - _F3
    c = _F3 / lax.sqrt(d)

    key0, key1 = _skey(k0, k1, 0)
    sub0, sub1 = _skey(k0, k1, 1)

    def rej_cond(x2, v3, u):
        c1 = u >= np.float32(1.0) - _SQUEEZE * (x2 * x2)
        c2 = lax.log(u) >= (x2 * np.float32(0.5)
                            + d * ((np.float32(1.0) - v3) + lax.log(v3)))
        return c1 & c2

    def obody(st):
        K0, K1, X, V, U = st
        m = rej_cond(X, V, U)
        nK0, nK1 = _skey(K0, K1, 0)
        xk0, xk1 = _skey(K0, K1, 1)
        uk0, uk1 = _skey(K0, K1, 2)

        def icond(ist):
            return jnp.any(ist[3] <= np.float32(0.0))

        def ibody(ist):
            ik0, ik1, x, v = ist
            im = v <= np.float32(0.0)
            jk0, jk1 = _skey(ik0, ik1, 0)
            sk0, sk1 = _skey(ik0, ik1, 1)
            xn = _rnormal(sk0, sk1)
            vn = np.float32(1.0) + xn * c
            return (jnp.where(im, jk0, ik0), jnp.where(im, jk1, ik1),
                    jnp.where(im, xn, x), jnp.where(im, vn, v))

        _, _, x, v = lax.while_loop(
            icond, ibody,
            (xk0, xk1, jnp.zeros_like(X), jnp.full_like(X, np.float32(-1.0))))
        nX = x * x
        nV = (v * v) * v
        nU = _runif(uk0, uk1, np.float32(0.0), np.float32(1.0))
        return (jnp.where(m, nK0, K0), jnp.where(m, nK1, K1),
                jnp.where(m, nX, X), jnp.where(m, nV, V), jnp.where(m, nU, U))

    def ocond(st):
        return jnp.any(rej_cond(st[2], st[3], st[4]))

    zf = jnp.zeros(shape, jnp.float32)
    _, _, _, Vf, _ = lax.while_loop(
        ocond, obody,
        (key0, key1, zf, zf + np.float32(1.0), zf + np.float32(2.0)))

    samples = np.float32(1.0) - _runif(sub0, sub1, np.float32(0.0), np.float32(1.0))
    boost = jnp.where(boost_mask, jnp.ones_like(samples),
                      lax.pow(samples, np.float32(1.0) / alpha_orig))
    gam_ref[...] = (d * Vf) * boost


@jax.jit
def _cluster_stats(zs, x0, x1):
    mesh = plsc.VectorSubcoreMesh(core_axis_name="c", subcore_axis_name="s")
    params = pltpu.CompilerParams(needs_layout_passes=False)
    counts = pl.kernel(
        _counts_body,
        mesh=mesh,
        compiler_params=params,
        out_type=jax.ShapeDtypeStruct((BB, EW), jnp.float32),
        scratch_types=[
            pltpu.VMEM((CH,), jnp.int32),
            pltpu.VMEM((ACC,), jnp.float32),
            pltpu.VMEM((EW,), jnp.float32),
            pltpu.VMEM((CPB * EW,), jnp.float32),
            pltpu.VMEM_SHARED((NSUB * EW,), jnp.float32),
        ],
    )
    sums = pl.kernel(
        _sums_body,
        mesh=mesh,
        compiler_params=params,
        out_type=jax.ShapeDtypeStruct((BB, 2 * EW), jnp.float32),
        scratch_types=[
            pltpu.VMEM((CH,), jnp.int32),
            pltpu.VMEM((CH,), jnp.float32),
            pltpu.VMEM((CH,), jnp.float32),
            pltpu.VMEM((ACC,), jnp.float32),
            pltpu.VMEM((ACC,), jnp.float32),
            pltpu.VMEM((ACC,), jnp.float32),
            pltpu.VMEM((ACC,), jnp.float32),
            pltpu.VMEM((2 * EW,), jnp.float32),
            pltpu.VMEM((CPB * 2 * EW,), jnp.float32),
            pltpu.VMEM_SHARED((NSUB * 2 * EW,), jnp.float32),
        ],
    )
    return counts(zs), sums(zs, x0, x1)


def _gamma_tc(nks2, ccf, k0, k1):
    out = jax.ShapeDtypeStruct((BB, EW), jnp.float32)
    return pl.pallas_call(
        _gamma_body,
        out_shape=out,
    )(nks2, ccf, k0, k1)


def kernel(xs, zs, mu, concentration, rate):
    x0 = xs[..., 0]
    x1 = xs[..., 1]
    nks2, sums = _cluster_stats(zs.astype(jnp.int32), x0, x1)
    sx = sums[:, :EW]
    sq = sums[:, EW:]

    kd = jax.random.key_data(jax.random.split(jax.random.key(42), BB * EW))
    k0 = kd[:, 0].reshape(BB, EW)
    k1 = kd[:, 1].reshape(BB, EW)

    gam = _gamma_tc(nks2, concentration.reshape(1, EW), k0, k1)

    muf = mu.reshape(1, EW)
    eff = nks2 + 1.0
    hm2 = (muf + sx) / eff
    rt = rate.reshape(1, EW) + 0.5 * ((muf * muf - eff * (hm2 * hm2)) + sq)
    prec2 = (gam / rt) * eff

    hyper_means = hm2.reshape(BB, KC, 2)
    precisions = prec2.reshape(BB, KC, 2)
    nkey = jax.random.key(43)
    nrm = jax.random.normal(nkey, hyper_means.shape, dtype=xs.dtype)
    mu_sample = hyper_means + nrm * jnp.power(precisions, -0.5)
    return jnp.concatenate([hyper_means, precisions, mu_sample], axis=-1)

# --- scband reference (transcript-rebuilt; emitter-appended) ---
"""Pipeline reference for scband-clusters-gibbs-8452495638934 (READ-ONLY COPY).

The authoritative reference and input builder live on the scoring server;
editing this copy changes nothing except your own understanding.
"""

import jax, jax.numpy as jnp
import numpy as np

NUM_CLUSTERS = 64
DIM = 2
B = 4
N = 65536


def setup_inputs(seed: int = 0) -> dict:
    key = jax.random.key(seed)
    k1, k2 = jax.random.split(key)
    zs = jax.random.randint(k1, (B, N), 0, NUM_CLUSTERS, dtype=jnp.int64 if jax.config.jax_enable_x64 else jnp.int32)
    xs = jax.random.normal(k2, (B, N, DIM), dtype=jnp.float32)
    # buffers sized per init_kwargs (defaults from the torch module)
    mu = jnp.zeros((NUM_CLUSTERS, DIM), dtype=jnp.float32)
    concentration = jnp.ones((NUM_CLUSTERS, DIM), dtype=jnp.float32) * 0.9
    rate = jnp.ones((NUM_CLUSTERS, DIM), dtype=jnp.float32) * 0.9
    return {"xs": xs, "zs": zs, "mu": mu, "concentration": concentration, "rate": rate}


def reference(xs, zs, mu, concentration, rate):
    # one-hot cluster assignment mask: [B, N, K, 1]
    zsk = jax.nn.one_hot(zs, NUM_CLUSTERS, dtype=xs.dtype)[..., None]
    # masked data per cluster: [B, N, K, dim]
    xsk = xs[:, :, None, :] * zsk
    # per-cluster counts (segment reduce over N): [B, K, 1]
    nks = zsk.sum(axis=1)
    eff_samples = nks + 1.0
    # posterior means: [B, K, dim]
    hyper_means = (mu[None] + xsk.sum(axis=1)) / eff_samples
    conc = concentration[None] + nks / 2.0
    rt = rate[None] + 0.5 * (mu[None] ** 2 - eff_samples * hyper_means ** 2 + (xsk ** 2).sum(axis=1))
    # q.gamma(conc, rate) -> sample tau ~ Gamma(conc, rate) with fixed key
    gkey = jax.random.key(42)
    tau = jax.random.gamma(gkey, jnp.broadcast_to(conc, rt.shape)) / rt
    precisions = tau * eff_samples
    # q.normal(hyper_means, precisions**-0.5)
    nkey = jax.random.key(43)
    mu_sample = hyper_means + jax.random.normal(nkey, hyper_means.shape, dtype=xs.dtype) * jnp.power(precisions, -0.5)
    # torch module returns (); we return the sampled/posterior quantities for verification
    return jnp.concatenate([hyper_means, precisions, mu_sample], axis=-1)

if __name__ == "__main__":
    import jax
    _d = setup_inputs()
    print(jax.jit(kernel)(*tuple(_d.values())))

</pallas_src>

<mosaic_0001>
#map = affine_map<(d0, d1) -> (0, 0)>
module attributes {stable_mosaic.version = 14 : i64} {
  func.func @_counts_body(%arg0: i32, %arg1: i32, %arg2: memref<4x65536xi32, #tpu.memory_space<hbm>>, %arg3: memref<4x128xf32, #tpu.memory_space<hbm>>, %arg4: memref<8192xi32, #tpu.memory_space<vmem>>, %arg5: memref<1024xf32, #tpu.memory_space<vmem>>, %arg6: memref<128xf32, #tpu.memory_space<vmem>>, %arg7: memref<1024xf32, #tpu.memory_space<vmem>>, %arg8: memref<2048xf32, #tpu.memory_space<vmem_shared>>) attributes {dimension_semantics = [#tpu.dimension_semantics<core_parallel>, #tpu.dimension_semantics<subcore_parallel>], iteration_bounds = array<i64: 2, 16>, scalar_prefetch = 0 : i64, scratch_operands = 5 : i64, tpu.core_type = #tpu.core_type<sc_vector_subcore>, window_params = [{transform_indices = #map}, {transform_indices = #map}]} {
    %mul3A = arith.constant 16 : i32
    %mul3A_0 = arith.muli %arg0, %mul3A : i32
    %add3A = arith.addi %mul3A_0, %arg1 : i32
    %jit3A = arith.constant 8 : i32
    %div3A = arith.divsi %add3A, %jit3A : i32
    %sign3A = arith.constant 0 : i32
    %sign3A_1 = arith.cmpi sgt, %add3A, %sign3A : i32
    %sign3A_2 = arith.extui %sign3A_1 : i1 to i32
    %sign3A_3 = arith.constant 0 : i32
    %sign3A_4 = arith.cmpi slt, %add3A, %sign3A_3 : i32
    %sign3A_5 = arith.extui %sign3A_4 : i1 to i32
    %sign3A_6 = arith.subi %sign3A_2, %sign3A_5 : i32
    %sign3A_7 = arith.constant 0 : i32
    %sign3A_8 = arith.cmpi sgt, %jit3A, %sign3A_7 : i32
    %sign3A_9 = arith.extui %sign3A_8 : i1 to i32
    %sign3A_10 = arith.constant 0 : i32
    %sign3A_11 = arith.cmpi slt, %jit3A, %sign3A_10 : i32
    %sign3A_12 = arith.extui %sign3A_11 : i1 to i32
    %sign3A_13 = arith.subi %sign3A_9, %sign3A_12 : i32
    %ne3A = arith.cmpi ne, %sign3A_6, %sign3A_13 : i32
    %rem3A = arith.remsi %add3A, %jit3A : i32
    %ne3A_14 = arith.constant 0 : i32
    %ne3A_15 = arith.cmpi ne, %rem3A, %ne3A_14 : i32
    %and3A = arith.andi %ne3A, %ne3A_15 : i1
    %sub3A = arith.constant 1 : i32
    %sub3A_16 = arith.subi %div3A, %sub3A : i32
    %select_n3A = arith.select %and3A, %sub3A_16, %div3A : i32
    %jit3A_17 = arith.constant 8 : i32
    %eq3A = arith.constant 0 : i32
    %eq3A_18 = arith.cmpi eq, %jit3A_17, %eq3A : i32
    %jit3A_19 = arith.constant 1 : i32
    %select_n3A_20 = arith.select %eq3A_18, %jit3A_19, %jit3A_17 : i32
    %rem3A_21 = arith.remsi %add3A, %select_n3A_20 : i32
    %ne3A_22 = arith.constant 0 : i32
    %ne3A_23 = arith.cmpi ne, %rem3A_21, %ne3A_22 : i32
    %lt3A = arith.constant 0 : i32
    %lt3A_24 = arith.cmpi slt, %rem3A_21, %lt3A : i32
    %lt3A_25 = arith.constant 0 : i32
    %lt3A_26 = arith.cmpi slt, %select_n3A_20, %lt3A_25 : i32
    %ne3A_27 = arith.xori %lt3A_24, %lt3A_26 : i1
    %and3A_28 = arith.andi %ne3A_27, %ne3A_23 : i1
    %add3A_29 = arith.addi %rem3A_21, %select_n3A_20 : i32
    %select_n3A_30 = arith.select %and3A_28, %add3A_29, %rem3A_21 : i32
    %mul3A_31 = arith.constant 8192 : i32
    %mul3A_32 = arith.muli %select_n3A_30, %mul3A_31 : i32
    "tpu.region"() ({
      %run_scoped3A = tpu.sem_alloc : memref<!tpu.dma_semaphore, #tpu.memory_space<semaphore_mem>>
      %dma_start3A = tpu.memref_slice %arg2[%select_n3A, %mul3A_32] : memref<4x65536xi32, #tpu.memory_space<hbm>> -> memref<1x8192xi32, #tpu.memory_space<hbm>>
      %dma_start3A_139 = tpu.memref_squeeze %dma_start3A : memref<1x8192xi32, #tpu.memory_space<hbm>> -> memref<8192xi32, #tpu.memory_space<hbm>>
      %dma_start3A_140 = tpu.memref_slice %arg2[%select_n3A, %mul3A_32] : memref<4x65536xi32, #tpu.memory_space<hbm>> -> memref<1x8192xi32, #tpu.memory_space<hbm>>
      %dma_start3A_141 = tpu.memref_squeeze %dma_start3A_140 : memref<1x8192xi32, #tpu.memory_space<hbm>> -> memref<8192xi32, #tpu.memory_space<hbm>>
      tpu.enqueue_dma source(%dma_start3A_141 : memref<8192xi32, #tpu.memory_space<hbm>>) target(%arg4 : memref<8192xi32, #tpu.memory_space<vmem>>) target_semaphore(%run_scoped3A : memref<!tpu.dma_semaphore, #tpu.memory_space<semaphore_mem>>)
      %dma_wait3A = tpu.memref_slice %arg2[%select_n3A, %mul3A_32] : memref<4x65536xi32, #tpu.memory_space<hbm>> -> memref<1x8192xi32, #tpu.memory_space<hbm>>
      %dma_wait3A_142 = tpu.memref_squeeze %dma_wait3A : memref<1x8192xi32, #tpu.memory_space<hbm>> -> memref<8192xi32, #tpu.memory_space<hbm>>
      %dma_wait3A_143 = tpu.memref_slice %arg2[%select_n3A, %mul3A_32] : memref<4x65536xi32, #tpu.memory_space<hbm>> -> memref<1x8192xi32, #tpu.memory_space<hbm>>
      %dma_wait3A_144 = tpu.memref_squeeze %dma_wait3A_143 : memref<1x8192xi32, #tpu.memory_space<hbm>> -> memref<8192xi32, #tpu.memory_space<hbm>>
      tpu.wait_dma2 semaphore(%run_scoped3A : memref<!tpu.dma_semaphore, #tpu.memory_space<semaphore_mem>>) src(%dma_wait3A_144 : memref<8192xi32, #tpu.memory_space<hbm>>) dst(%arg4 : memref<8192xi32, #tpu.memory_space<vmem>>)
      tpu.yield
    }) : () -> ()
    %iota3A = tpu.iota {dimensions = array<i32: 0>} : vector<16xi32>
    %mul3A_33 = arith.constant 16 : i32
    %mul3A_34 = vector.broadcast %mul3A_33 : i32 to vector<16xi32>
    %mul3A_35 = arith.muli %iota3A, %mul3A_34 : vector<16xi32>
    %broadcast_in_dim3A = arith.constant 0.000000e+00 : f32
    %broadcast_in_dim3A_36 = vector.broadcast %broadcast_in_dim3A : f32 to vector<16xf32>
    %broadcast_in_dim3A_37 = arith.constant 1.000000e+00 : f32
    %broadcast_in_dim3A_38 = vector.broadcast %broadcast_in_dim3A_37 : f32 to vector<16xf32>
    %parallel_loop3A = arith.constant 0 : i32
    %parallel_loop3A_39 = arith.constant 64 : i32
    %parallel_loop3A_40 = arith.constant 1 : i32
    scf.for %parallel_loop3A_139 = %parallel_loop3A to %parallel_loop3A_39 step %parallel_loop3A_40  : i32 {
      %parallel_loop3A_140 = arith.constant 16 : i32
      %parallel_loop3A_141 = arith.muli %parallel_loop3A_139, %parallel_loop3A_140 : i32
      %parallel_loop3A_142 = arith.index_cast %parallel_loop3A_141 : i32 to index
      %parallel_loop3A_143 = tpu.vector_load %arg5[%parallel_loop3A_142] {strides = array<i32>} : memref<1024xf32, #tpu.memory_space<vmem>>, vector<16xf32>,
      tpu.vector_store %arg5[%parallel_loop3A_142], %broadcast_in_dim3A_36 {strides = array<i32>} : memref<1024xf32, #tpu.memory_space<vmem>>, vector<16xf32>,
    } {sc.loop_unroll_factor = 4 : i64, sc.parallel_access}
    %parallel_loop3A_41 = arith.constant 0 : i32
    %parallel_loop3A_42 = arith.constant 512 : i32
    %parallel_loop3A_43 = arith.constant 1 : i32
    scf.for %parallel_loop3A_139 = %parallel_loop3A_41 to %parallel_loop3A_42 step %parallel_loop3A_43  : i32 {
      %parallel_loop3A_140 = arith.constant 16 : i32
      %parallel_loop3A_141 = arith.muli %parallel_loop3A_139, %parallel_loop3A_140 : i32
      %parallel_loop3A_142 = arith.index_cast %parallel_loop3A_141 : i32 to index
      %parallel_loop3A_143 = tpu.vector_load %arg4[%parallel_loop3A_142] {strides = array<i32>} : memref<8192xi32, #tpu.memory_space<vmem>>, vector<16xi32>,
      %parallel_loop3A_144 = arith.constant 16 : i32
      %parallel_loop3A_145 = vector.broadcast %parallel_loop3A_144 : i32 to vector<16xi32>
      %parallel_loop3A_146 = arith.muli %parallel_loop3A_143, %parallel_loop3A_145 : vector<16xi32>
      %parallel_loop3A_147 = arith.addi %parallel_loop3A_146, %iota3A : vector<16xi32>
      tpu.vector_store_idx %arg5[%parallel_loop3A_147], %broadcast_in_dim3A_38 {add = true} : memref<1024xf32, #tpu.memory_space<vmem>>[vector<16xi32>], vector<16xf32>,
    } {sc.loop_unroll_factor = 4 : i64, sc.parallel_access}
    %add3A_44 = arith.constant 0 : i32
    %add3A_45 = vector.broadcast %add3A_44 : i32 to vector<16xi32>
    %add3A_46 = arith.addi %mul3A_35, %add3A_45 : vector<16xi32>
    %gather3A = tpu.vector_load_idx %arg5[%add3A_46] : memref<1024xf32, #tpu.memory_space<vmem>>[vector<16xi32>], vector<16xf32>,
    %scan3A = arith.constant 1 : i32
    %scan3A_47 = arith.constant 15 : i32
    %scan3A_48 = arith.addi %scan3A, %scan3A_47 : i32
    %scan3A_49 = arith.constant 1 : i32
    %scan3A_50 = scf.for %scan3A_139 = %scan3A to %scan3A_48 step %scan3A_49 iter_args(%scan3A_140 = %gather3A) -> (vector<16xf32>)  : i32 {
      %add3A_141 = arith.constant 0 : i32
      %add3A_142 = arith.addi %add3A_141, %scan3A_139 : i32
      %add3A_143 = vector.broadcast %add3A_142 : i32 to vector<16xi32>
      %add3A_144 = arith.addi %mul3A_35, %add3A_143 : vector<16xi32>
      %gather3A_145 = tpu.vector_load_idx %arg5[%add3A_144] : memref<1024xf32, #tpu.memory_space<vmem>>[vector<16xi32>], vector<16xf32>,
      %add3A_146 = arith.addf %scan3A_140, %gather3A_145 : vector<16xf32>
      scf.yield %add3A_146 : vector<16xf32>
    }
    %scan3A_51 = arith.constant 15 : i32
    %mul3A_52 = arith.constant 2 : i32
    %mul3A_53 = vector.broadcast %mul3A_52 : i32 to vector<16xi32>
    %mul3A_54 = arith.muli %iota3A, %mul3A_53 : vector<16xi32>
    %add3A_55 = arith.constant 0 : i32
    %add3A_56 = vector.broadcast %add3A_55 : i32 to vector<16xi32>
    %add3A_57 = arith.addi %mul3A_54, %add3A_56 : vector<16xi32>
    tpu.vector_store_idx %arg6[%add3A_57], %scan3A_50 : memref<128xf32, #tpu.memory_space<vmem>>[vector<16xi32>], vector<16xf32>,
    %add3A_58 = arith.constant 1 : i32
    %add3A_59 = vector.broadcast %add3A_58 : i32 to vector<16xi32>
    %add3A_60 = arith.addi %add3A_57, %add3A_59 : vector<16xi32>
    tpu.vector_store_idx %arg6[%add3A_60], %scan3A_50 : memref<128xf32, #tpu.memory_space<vmem>>[vector<16xi32>], vector<16xf32>,
    %add3A_61 = arith.constant 256 : i32
    %add3A_62 = vector.broadcast %add3A_61 : i32 to vector<16xi32>
    %add3A_63 = arith.addi %mul3A_35, %add3A_62 : vector<16xi32>
    %gather3A_64 = tpu.vector_load_idx %arg5[%add3A_63] : memref<1024xf32, #tpu.memory_space<vmem>>[vector<16xi32>], vector<16xf32>,
    %scan3A_65 = arith.constant 1 : i32
    %scan3A_66 = arith.constant 15 : i32
    %scan3A_67 = arith.addi %scan3A_65, %scan3A_66 : i32
    %scan3A_68 = arith.constant 1 : i32
    %scan3A_69 = scf.for %scan3A_139 = %scan3A_65 to %scan3A_67 step %scan3A_68 iter_args(%scan3A_140 = %gather3A_64) -> (vector<16xf32>)  : i32 {
      %add3A_141 = arith.constant 256 : i32
      %add3A_142 = arith.addi %add3A_141, %scan3A_139 : i32
      %add3A_143 = vector.broadcast %add3A_142 : i32 to vector<16xi32>
      %add3A_144 = arith.addi %mul3A_35, %add3A_143 : vector<16xi32>
      %gather3A_145 = tpu.vector_load_idx %arg5[%add3A_144] : memref<1024xf32, #tpu.memory_space<vmem>>[vector<16xi32>], vector<16xf32>,
      %add3A_146 = arith.addf %scan3A_140, %gather3A_145 : vector<16xf32>
      scf.yield %add3A_146 : vector<16xf32>
    }
    %scan3A_70 = arith.constant 15 : i32
    %mul3A_71 = arith.constant 2 : i32
    %mul3A_72 = vector.broadcast %mul3A_71 : i32 to vector<16xi32>
    %mul3A_73 = arith.muli %iota3A, %mul3A_72 : vector<16xi32>
    %add3A_74 = arith.constant 32 : i32
    %add3A_75 = vector.broadcast %add3A_74 : i32 to vector<16xi32>
    %add3A_76 = arith.addi %mul3A_73, %add3A_75 : vector<16xi32>
    tpu.vector_store_idx %arg6[%add3A_76], %scan3A_69 : memref<128xf32, #tpu.memory_space<vmem>>[vector<16xi32>], vector<16xf32>,
    %add3A_77 = arith.constant 1 : i32
    %add3A_78 = vector.broadcast %add3A_77 : i32 to vector<16xi32>
    %add3A_79 = arith.addi %add3A_76, %add3A_78 : vector<16xi32>
    tpu.vector_store_idx %arg6[%add3A_79], %scan3A_69 : memref<128xf32, #tpu.memory_space<vmem>>[vector<16xi32>], vector<16xf32>,
    %add3A_80 = arith.constant 512 : i32
    %add3A_81 = vector.broadcast %add3A_80 : i32 to vector<16xi32>
    %add3A_82 = arith.addi %mul3A_35, %add3A_81 : vector<16xi32>
    %gather3A_83 = tpu.vector_load_idx %arg5[%add3A_82] : memref<1024xf32, #tpu.memory_space<vmem>>[vector<16xi32>], vector<16xf32>,
    %scan3A_84 = arith.constant 1 : i32
    %scan3A_85 = arith.constant 15 : i32
    %scan3A_86 = arith.addi %scan3A_84, %scan3A_85 : i32
    %scan3A_87 = arith.constant 1 : i32
    %scan3A_88 = scf.for %scan3A_139 = %scan3A_84 to %scan3A_86 step %scan3A_87 iter_args(%scan3A_140 = %gather3A_83) -> (vector<16xf32>)  : i32 {
      %add3A_141 = arith.constant 512 : i32
      %add3A_142 = arith.addi %add3A_141, %scan3A_139 : i32
      %add3A_143 = vector.broadcast %add3A_142 : i32 to vector<16xi32>
      %add3A_144 = arith.addi %mul3A_35, %add3A_143 : vector<16xi32>
      %gather3A_145 = tpu.vector_load_idx %arg5[%add3A_144] : memref<1024xf32, #tpu.memory_space<vmem>>[vector<16xi32>], vector<16xf32>,
      %add3A_146 = arith.addf %scan3A_140, %gather3A_145 : vector<16xf32>
      scf.yield %add3A_146 : vector<16xf32>
    }
    %scan3A_89 = arith.constant 15 : i32
    %mul3A_90 = arith.constant 2 : i32
    %mul3A_91 = vector.broadcast %mul3A_90 : i32 to vector<16xi32>
    %mul3A_92 = arith.muli %iota3A, %mul3A_91 : vector<16xi32>
    %add3A_93 = arith.constant 64 : i32
    %add3A_94 = vector.broadcast %add3A_93 : i32 to vector<16xi32>
    %add3A_95 = arith.addi %mul3A_92, %add3A_94 : vector<16xi32>
    tpu.vector_store_idx %arg6[%add3A_95], %scan3A_88 : memref<128xf32, #tpu.memory_space<vmem>>[vector<16xi32>], vector<16xf32>,
    %add3A_96 = arith.constant 1 : i32
    %add3A_97 = vector.broadcast %add3A_96 : i32 to vector<16xi32>
    %add3A_98 = arith.addi %add3A_95, %add3A_97 : vector<16xi32>
    tpu.vector_store_idx %arg6[%add3A_98], %scan3A_88 : memref<128xf32, #tpu.memory_space<vmem>>[vector<16xi32>], vector<16xf32>,
    %add3A_99 = arith.constant 768 : i32
    %add3A_100 = vector.broadcast %add3A_99 : i32 to vector<16xi32>
    %add3A_101 = arith.addi %mul3A_35, %add3A_100 : vector<16xi32>
    %gather3A_102 = tpu.vector_load_idx %arg5[%add3A_101] : memref<1024xf32, #tpu.memory_space<vmem>>[vector<16xi32>], vector<16xf32>,
    %scan3A_103 = arith.constant 1 : i32
    %scan3A_104 = arith.constant 15 : i32
    %scan3A_105 = arith.addi %scan3A_103, %scan3A_104 : i32
    %scan3A_106 = arith.constant 1 : i32
    %scan3A_107 = scf.for %scan3A_139 = %scan3A_103 to %scan3A_105 step %scan3A_106 iter_args(%scan3A_140 = %gather3A_102) -> (vector<16xf32>)  : i32 {
      %add3A_141 = arith.constant 768 : i32
      %add3A_142 = arith.addi %add3A_141, %scan3A_139 : i32
      %add3A_143 = vector.broadcast %add3A_142 : i32 to vector<16xi32>
      %add3A_144 = arith.addi %mul3A_35, %add3A_143 : vector<16xi32>
      %gather3A_145 = tpu.vector_load_idx %arg5[%add3A_144] : memref<1024xf32, #tpu.memory_space<vmem>>[vector<16xi32>], vector<16xf32>,
      %add3A_146 = arith.addf %scan3A_140, %gather3A_145 : vector<16xf32>
      scf.yield %add3A_146 : vector<16xf32>
    }
    %scan3A_108 = arith.constant 15 : i32
    %mul3A_109 = arith.constant 2 : i32
    %mul3A_110 = vector.broadcast %mul3A_109 : i32 to vector<16xi32>
    %mul3A_111 = arith.muli %iota3A, %mul3A_110 : vector<16xi32>
    %add3A_112 = arith.constant 96 : i32
    %add3A_113 = vector.broadcast %add3A_112 : i32 to vector<16xi32>
    %add3A_114 = arith.addi %mul3A_111, %add3A_113 : vector<16xi32>
    tpu.vector_store_idx %arg6[%add3A_114], %scan3A_107 : memref<128xf32, #tpu.memory_space<vmem>>[vector<16xi32>], vector<16xf32>,
    %add3A_115 = arith.constant 1 : i32
    %add3A_116 = vector.broadcast %add3A_115 : i32 to vector<16xi32>
    %add3A_117 = arith.addi %add3A_114, %add3A_116 : vector<16xi32>
    tpu.vector_store_idx %arg6[%add3A_117], %scan3A_107 : memref<128xf32, #tpu.memory_space<vmem>>[vector<16xi32>], vector<16xf32>,
    %mul3A_118 = arith.constant 128 : i32
    %mul3A_119 = arith.muli %arg1, %mul3A_118 : i32
    "tpu.region"() ({
      %run_scoped3A = tpu.sem_alloc : memref<!tpu.dma_semaphore, #tpu.memory_space<semaphore_mem>>
      %dma_start3A = tpu.memref_slice %arg8[%mul3A_119] : memref<2048xf32, #tpu.memory_space<vmem_shared>> -> memref<128xf32, #tpu.memory_space<vmem_shared>>
      %dma_start3A_139 = tpu.memref_slice %arg8[%mul3A_119] : memref<2048xf32, #tpu.memory_space<vmem_shared>> -> memref<128xf32, #tpu.memory_space<vmem_shared>>
      tpu.enqueue_dma source(%arg6 : memref<128xf32, #tpu.memory_space<vmem>>) target(%dma_start3A_139 : memref<128xf32, #tpu.memory_space<vmem_shared>>) target_semaphore(%run_scoped3A : memref<!tpu.dma_semaphore, #tpu.memory_space<semaphore_mem>>)
      %dma_wait3A = tpu.memref_slice %arg8[%mul3A_119] : memref<2048xf32, #tpu.memory_space<vmem_shared>> -> memref<128xf32, #tpu.memory_space<vmem_shared>>
      %dma_wait3A_140 = tpu.memref_slice %arg8[%mul3A_119] : memref<2048xf32, #tpu.memory_space<vmem_shared>> -> memref<128xf32, #tpu.memory_space<vmem_shared>>
      tpu.wait_dma2 semaphore(%run_scoped3A : memref<!tpu.dma_semaphore, #tpu.memory_space<semaphore_mem>>) src(%arg6 : memref<128xf32, #tpu.memory_space<vmem>>) dst(%dma_wait3A_140 : memref<128xf32, #tpu.memory_space<vmem_shared>>)
      tpu.yield
    }) : () -> ()
    %barrier3A = arith.constant 0 : index
    tpu.barrier barrier_id(%barrier3A)
    %jit3A_120 = arith.constant 8 : i32
    %eq3A_121 = arith.constant 0 : i32
    %eq3A_122 = arith.cmpi eq, %jit3A_120, %eq3A_121 : i32
    %jit3A_123 = arith.constant 1 : i32
    %select_n3A_124 = arith.select %eq3A_122, %jit3A_123, %jit3A_120 : i32
    %rem3A_125 = arith.remsi %arg1, %select_n3A_124 : i32
    %ne3A_126 = arith.constant 0 : i32
    %ne3A_127 = arith.cmpi ne, %rem3A_125, %ne3A_126 : i32
    %lt3A_128 = arith.constant 0 : i32
    %lt3A_129 = arith.cmpi slt, %rem3A_125, %lt3A_128 : i32
    %lt3A_130 = arith.constant 0 : i32
    %lt3A_131 = arith.cmpi slt, %select_n3A_124, %lt3A_130 : i32
    %ne3A_132 = arith.xori %lt3A_129, %lt3A_131 : i1
    %and3A_133 = arith.andi %ne3A_132, %ne3A_127 : i1
    %add3A_134 = arith.addi %rem3A_125, %select_n3A_124 : i32
    %select_n3A_135 = arith.select %and3A_133, %add3A_134, %rem3A_125 : i32
    %eq3A_136 = arith.constant 0 : i32
    %eq3A_137 = arith.cmpi eq, %select_n3A_135, %eq3A_136 : i32
    %convert_element_type3A = arith.extui %eq3A_137 : i1 to i32
    %cond3A = arith.constant 0 : i32
    %cond3A_138 = arith.cmpi ne, %convert_element_type3A, %cond3A : i32
    scf.if %cond3A_138 {
      %mul3A_139 = arith.constant 128 : i32
      %mul3A_140 = arith.muli %arg1, %mul3A_139 : i32
      "tpu.region"() ({
        %run_scoped3A = tpu.sem_alloc : memref<!tpu.dma_semaphore, #tpu.memory_space<semaphore_mem>>
        %dma_start3A = tpu.memref_slice %arg8[%mul3A_140] : memref<2048xf32, #tpu.memory_space<vmem_shared>> -> memref<1024xf32, #tpu.memory_space<vmem_shared>>
        %dma_start3A_147 = tpu.memref_slice %arg8[%mul3A_140] : memref<2048xf32, #tpu.memory_space<vmem_shared>> -> memref<1024xf32, #tpu.memory_space<vmem_shared>>
        tpu.enqueue_dma source(%dma_start3A_147 : memref<1024xf32, #tpu.memory_space<vmem_shared>>) target(%arg7 : memref<1024xf32, #tpu.memory_space<vmem>>) target_semaphore(%run_scoped3A : memref<!tpu.dma_semaphore, #tpu.memory_space<semaphore_mem>>)
        %dma_wait3A = tpu.memref_slice %arg8[%mul3A_140] : memref<2048xf32, #tpu.memory_space<vmem_shared>> -> memref<1024xf32, #tpu.memory_space<vmem_shared>>
        %dma_wait3A_148 = tpu.memref_slice %arg8[%mul3A_140] : memref<2048xf32, #tpu.memory_space<vmem_shared>> -> memref<1024xf32, #tpu.memory_space<vmem_shared>>
        tpu.wait_dma2 semaphore(%run_scoped3A : memref<!tpu.dma_semaphore, #tpu.memory_space<semaphore_mem>>) src(%dma_wait3A_148 : memref<1024xf32, #tpu.memory_space<vmem_shared>>) dst(%arg7 : memref<1024xf32, #tpu.memory_space<vmem>>)
        tpu.yield
      }) : () -> ()
      %scan3A_141 = arith.constant 0 : i32
      %scan3A_142 = arith.constant 0 : i32
      %scan3A_143 = arith.constant 8 : i32
      %scan3A_144 = arith.addi %scan3A_142, %scan3A_143 : i32
      %scan3A_145 = arith.constant 1 : i32
      scf.for %scan3A_147 = %scan3A_142 to %scan3A_144 step %scan3A_145  : i32 {
        %mul3A_148 = arith.constant 16 : i32
        %mul3A_149 = arith.muli %scan3A_147, %mul3A_148 : i32
        %get3A = arith.index_cast %mul3A_149 : i32 to index
        %get3A_150 = tpu.vector_load %arg7[%get3A] {strides = array<i32>} : memref<1024xf32, #tpu.memory_space<vmem>>, vector<16xf32>,
        %scan3A_151 = arith.constant 1 : i32
        %scan3A_152 = arith.constant 7 : i32
        %scan3A_153 = arith.addi %scan3A_151, %scan3A_152 : i32
        %scan3A_154 = arith.constant 1 : i32
        %scan3A_155 = scf.for %scan3A_160 = %scan3A_151 to %scan3A_153 step %scan3A_154 iter_args(%scan3A_161 = %get3A_150) -> (vector<16xf32>)  : i32 {
          %mul3A_162 = arith.constant 128 : i32
          %mul3A_163 = arith.muli %scan3A_160, %mul3A_162 : i32
          %mul3A_164 = arith.constant 16 : i32
          %mul3A_165 = arith.muli %scan3A_147, %mul3A_164 : i32
          %add3A_166 = arith.addi %mul3A_163, %mul3A_165 : i32
          %get3A_167 = arith.index_cast %add3A_166 : i32 to index
          %get3A_168 = tpu.vector_load %arg7[%get3A_167] {strides = array<i32>} : memref<1024xf32, #tpu.memory_space<vmem>>, vector<16xf32>,
          %add3A_169 = arith.addf %scan3A_161, %get3A_168 : vector<16xf32>
          scf.yield %add3A_169 : vector<16xf32>
        }
        %scan3A_156 = arith.constant 7 : i32
        %mul3A_157 = arith.constant 16 : i32
        %mul3A_158 = arith.muli %scan3A_147, %mul3A_157 : i32
        %swap3A = arith.index_cast %mul3A_158 : i32 to index
        %swap3A_159 = tpu.vector_load %arg6[%swap3A] {strides = array<i32>} : memref<128xf32, #tpu.memory_space<vmem>>, vector<16xf32>,
        tpu.vector_store %arg6[%swap3A], %scan3A_155 {strides = array<i32>} : memref<128xf32, #tpu.memory_space<vmem>>, vector<16xf32>,
      }
      %scan3A_146 = arith.constant 8 : i32
      "tpu.region"() ({
        %run_scoped3A = tpu.sem_alloc : memref<!tpu.dma_semaphore, #tpu.memory_space<semaphore_mem>>
        %dma_start3A = arith.constant 0 : i32
        %dma_start3A_147 = tpu.memref_slice %arg6[%dma_start3A] : memref<128xf32, #tpu.memory_space<vmem>> -> memref<128xf32, #tpu.memory_space<vmem>>
        %dma_start3A_148 = arith.constant 0 : i32
        %dma_start3A_149 = tpu.memref_slice %arg3[%select_n3A, %dma_start3A_148] : memref<4x128xf32, #tpu.memory_space<hbm>> -> memref<1x128xf32, #tpu.memory_space<hbm>>
        %dma_start3A_150 = tpu.memref_squeeze %dma_start3A_149 : memref<1x128xf32, #tpu.memory_space<hbm>> -> memref<128xf32, #tpu.memory_space<hbm>>
        %dma_start3A_151 = arith.constant 0 : i32
        %dma_start3A_152 = tpu.memref_slice %arg3[%select_n3A, %dma_start3A_151] : memref<4x128xf32, #tpu.memory_space<hbm>> -> memref<1x128xf32, #tpu.memory_space<hbm>>
        %dma_start3A_153 = tpu.memref_squeeze %dma_start3A_152 : memref<1x128xf32, #tpu.memory_space<hbm>> -> memref<128xf32, #tpu.memory_space<hbm>>
        %dma_start3A_154 = arith.constant 0 : i32
        %dma_start3A_155 = tpu.memref_slice %arg6[%dma_start3A_154] : memref<128xf32, #tpu.memory_space<vmem>> -> memref<128xf32, #tpu.memory_space<vmem>>
        tpu.enqueue_dma source(%dma_start3A_155 : memref<128xf32, #tpu.memory_space<vmem>>) target(%dma_start3A_153 : memref<128xf32, #tpu.memory_space<hbm>>) target_semaphore(%run_scoped3A : memref<!tpu.dma_semaphore, #tpu.memory_space<semaphore_mem>>)
        %dma_wait3A = arith.constant 0 : i32
        %dma_wait3A_156 = tpu.memref_slice %arg6[%dma_wait3A] : memref<128xf32, #tpu.memory_space<vmem>> -> memref<128xf32, #tpu.memory_space<vmem>>
        %dma_wait3A_157 = arith.constant 0 : i32
        %dma_wait3A_158 = tpu.memref_slice %arg3[%select_n3A, %dma_wait3A_157] : memref<4x128xf32, #tpu.memory_space<hbm>> -> memref<1x128xf32, #tpu.memory_space<hbm>>
        %dma_wait3A_159 = tpu.memref_squeeze %dma_wait3A_158 : memref<1x128xf32, #tpu.memory_space<hbm>> -> memref<128xf32, #tpu.memory_space<hbm>>
        %dma_wait3A_160 = arith.constant 0 : i32
        %dma_wait3A_161 = tpu.memref_slice %arg3[%select_n3A, %dma_wait3A_160] : memref<4x128xf32, #tpu.memory_space<hbm>> -> memref<1x128xf32, #tpu.memory_space<hbm>>
        %dma_wait3A_162 = tpu.memref_squeeze %dma_wait3A_161 : memref<1x128xf32, #tpu.memory_space<hbm>> -> memref<128xf32, #tpu.memory_space<hbm>>
        %dma_wait3A_163 = arith.constant 0 : i32
        %dma_wait3A_164 = tpu.memref_slice %arg6[%dma_wait3A_163] : memref<128xf32, #tpu.memory_space<vmem>> -> memref<128xf32, #tpu.memory_space<vmem>>
        tpu.wait_dma2 semaphore(%run_scoped3A : memref<!tpu.dma_semaphore, #tpu.memory_space<semaphore_mem>>) src(%dma_wait3A_164 : memref<128xf32, #tpu.memory_space<vmem>>) dst(%dma_wait3A_162 : memref<128xf32, #tpu.memory_space<hbm>>)
        tpu.yield
      }) : () -> ()
    } else {
    }
    return
  }
}

#map = affine_map<(d0, d1) -> (0, 0)>
module attributes {stable_mosaic.version = 14 : i64} {
  func.func @_sums_body(%arg0: i32, %arg1: i32, %arg2: memref<4x65536xi32, #tpu.memory_space<hbm>>, %arg3: memref<4x65536xf32, #tpu.memory_space<hbm>>, %arg4: memref<4x65536xf32, #tpu.memory_space<hbm>>, %arg5: memref<4x256xf32, #tpu.memory_space<hbm>>, %arg6: memref<8192xi32, #tpu.memory_space<vmem>>, %arg7: memref<8192xf32, #tpu.memory_space<vmem>>, %arg8: memref<8192xf32, #tpu.memory_space<vmem>>, %arg9: memref<1024xf32, #tpu.memory_space<vmem>>, %arg10: memref<1024xf32, #tpu.memory_space<vmem>>, %arg11: memref<1024xf32, #tpu.memory_space<vmem>>, %arg12: memref<1024xf32, #tpu.memory_space<vmem>>, %arg13: memref<256xf32, #tpu.memory_space<vmem>>, %arg14: memref<2048xf32, #tpu.memory_space<vmem>>, %arg15: memref<4096xf32, #tpu.memory_space<vmem_shared>>) attributes {dimension_semantics = [#tpu.dimension_semantics<core_parallel>, #tpu.dimension_semantics<subcore_parallel>], iteration_bounds = array<i64: 2, 16>, scalar_prefetch = 0 : i64, scratch_operands = 10 : i64, tpu.core_type = #tpu.core_type<sc_vector_subcore>, window_params = [{transform_indices = #map}, {transform_indices = #map}, {transform_indices = #map}, {transform_indices = #map}]} {
    %mul3A = arith.constant 16 : i32
    %mul3A_0 = arith.muli %arg0, %mul3A : i32
    %add3A = arith.addi %mul3A_0, %arg1 : i32
    %jit3A = arith.constant 8 : i32
    %div3A = arith.divsi %add3A, %jit3A : i32
    %sign3A = arith.constant 0 : i32
    %sign3A_1 = arith.cmpi sgt, %add3A, %sign3A : i32
    %sign3A_2 = arith.extui %sign3A_1 : i1 to i32
    %sign3A_3 = arith.constant 0 : i32
    %sign3A_4 = arith.cmpi slt, %add3A, %sign3A_3 : i32
    %sign3A_5 = arith.extui %sign3A_4 : i1 to i32
    %sign3A_6 = arith.subi %sign3A_2, %sign3A_5 : i32
    %sign3A_7 = arith.constant 0 : i32
    %sign3A_8 = arith.cmpi sgt, %jit3A, %sign3A_7 : i32
    %sign3A_9 = arith.extui %sign3A_8 : i1 to i32
    %sign3A_10 = arith.constant 0 : i32
    %sign3A_11 = arith.cmpi slt, %jit3A, %sign3A_10 : i32
    %sign3A_12 = arith.extui %sign3A_11 : i1 to i32
    %sign3A_13 = arith.subi %sign3A_9, %sign3A_12 : i32
    %ne3A = arith.cmpi ne, %sign3A_6, %sign3A_13 : i32
    %rem3A = arith.remsi %add3A, %jit3A : i32
    %ne3A_14 = arith.constant 0 : i32
    %ne3A_15 = arith.cmpi ne, %rem3A, %ne3A_14 : i32
    %and3A = arith.andi %ne3A, %ne3A_15 : i1
    %sub3A = arith.constant 1 : i32
    %sub3A_16 = arith.subi %div3A, %sub3A : i32
    %select_n3A = arith.select %and3A, %sub3A_16, %div3A : i32
    %jit3A_17 = arith.constant 8 : i32
    %eq3A = arith.constant 0 : i32
    %eq3A_18 = arith.cmpi eq, %jit3A_17, %eq3A : i32
    %jit3A_19 = arith.constant 1 : i32
    %select_n3A_20 = arith.select %eq3A_18, %jit3A_19, %jit3A_17 : i32
    %rem3A_21 = arith.remsi %add3A, %select_n3A_20 : i32
    %ne3A_22 = arith.constant 0 : i32
    %ne3A_23 = arith.cmpi ne, %rem3A_21, %ne3A_22 : i32
    %lt3A = arith.constant 0 : i32
    %lt3A_24 = arith.cmpi slt, %rem3A_21, %lt3A : i32
    %lt3A_25 = arith.constant 0 : i32
    %lt3A_26 = arith.cmpi slt, %select_n3A_20, %lt3A_25 : i32
    %ne3A_27 = arith.xori %lt3A_24, %lt3A_26 : i1
    %and3A_28 = arith.andi %ne3A_27, %ne3A_23 : i1
    %add3A_29 = arith.addi %rem3A_21, %select_n3A_20 : i32
    %select_n3A_30 = arith.select %and3A_28, %add3A_29, %rem3A_21 : i32
    %mul3A_31 = arith.constant 8192 : i32
    %mul3A_32 = arith.muli %select_n3A_30, %mul3A_31 : i32
    "tpu.region"() ({
      %run_scoped3A = tpu.sem_alloc : memref<!tpu.dma_semaphore, #tpu.memory_space<semaphore_mem>>
      %dma_start3A = tpu.memref_slice %arg2[%select_n3A, %mul3A_32] : memref<4x65536xi32, #tpu.memory_space<hbm>> -> memref<1x8192xi32, #tpu.memory_space<hbm>>
      %dma_start3A_293 = tpu.memref_squeeze %dma_start3A : memref<1x8192xi32, #tpu.memory_space<hbm>> -> memref<8192xi32, #tpu.memory_space<hbm>>
      %dma_start3A_294 = tpu.memref_slice %arg2[%select_n3A, %mul3A_32] : memref<4x65536xi32, #tpu.memory_space<hbm>> -> memref<1x8192xi32, #tpu.memory_space<hbm>>
      %dma_start3A_295 = tpu.memref_squeeze %dma_start3A_294 : memref<1x8192xi32, #tpu.memory_space<hbm>> -> memref<8192xi32, #tpu.memory_space<hbm>>
      tpu.enqueue_dma source(%dma_start3A_295 : memref<8192xi32, #tpu.memory_space<hbm>>) target(%arg6 : memref<8192xi32, #tpu.memory_space<vmem>>) target_semaphore(%run_scoped3A : memref<!tpu.dma_semaphore, #tpu.memory_space<semaphore_mem>>)
      %dma_wait3A = tpu.memref_slice %arg2[%select_n3A, %mul3A_32] : memref<4x65536xi32, #tpu.memory_space<hbm>> -> memref<1x8192xi32, #tpu.memory_space<hbm>>
      %dma_wait3A_296 = tpu.memref_squeeze %dma_wait3A : memref<1x8192xi32, #tpu.memory_space<hbm>> -> memref<8192xi32, #tpu.memory_space<hbm>>
      %dma_wait3A_297 = tpu.memref_slice %arg2[%select_n3A, %mul3A_32] : memref<4x65536xi32, #tpu.memory_space<hbm>> -> memref<1x8192xi32, #tpu.memory_space<hbm>>
      %dma_wait3A_298 = tpu.memref_squeeze %dma_wait3A_297 : memref<1x8192xi32, #tpu.memory_space<hbm>> -> memref<8192xi32, #tpu.memory_space<hbm>>
      tpu.wait_dma2 semaphore(%run_scoped3A : memref<!tpu.dma_semaphore, #tpu.memory_space<semaphore_mem>>) src(%dma_wait3A_298 : memref<8192xi32, #tpu.memory_space<hbm>>) dst(%arg6 : memref<8192xi32, #tpu.memory_space<vmem>>)
      tpu.yield
    }) : () -> ()
    "tpu.region"() ({
      %run_scoped3A = tpu.sem_alloc : memref<!tpu.dma_semaphore, #tpu.memory_space<semaphore_mem>>
      %dma_start3A = tpu.memref_slice %arg3[%select_n3A, %mul3A_32] : memref<4x65536xf32, #tpu.memory_space<hbm>> -> memref<1x8192xf32, #tpu.memory_space<hbm>>
      %dma_start3A_293 = tpu.memref_squeeze %dma_start3A : memref<1x8192xf32, #tpu.memory_space<hbm>> -> memref<8192xf32, #tpu.memory_space<hbm>>
      %dma_start3A_294 = tpu.memref_slice %arg3[%select_n3A, %mul3A_32] : memref<4x65536xf32, #tpu.memory_space<hbm>> -> memref<1x8192xf32, #tpu.memory_space<hbm>>
      %dma_start3A_295 = tpu.memref_squeeze %dma_start3A_294 : memref<1x8192xf32, #tpu.memory_space<hbm>> -> memref<8192xf32, #tpu.memory_space<hbm>>
      tpu.enqueue_dma source(%dma_start3A_295 : memref<8192xf32, #tpu.memory_space<hbm>>) target(%arg7 : memref<8192xf32, #tpu.memory_space<vmem>>) target_semaphore(%run_scoped3A : memref<!tpu.dma_semaphore, #tpu.memory_space<semaphore_mem>>)
      %dma_wait3A = tpu.memref_slice %arg3[%select_n3A, %mul3A_32] : memref<4x65536xf32, #tpu.memory_space<hbm>> -> memref<1x8192xf32, #tpu.memory_space<hbm>>
      %dma_wait3A_296 = tpu.memref_squeeze %dma_wait3A : memref<1x8192xf32, #tpu.memory_space<hbm>> -> memref<8192xf32, #tpu.memory_space<hbm>>
      %dma_wait3A_297 = tpu.memref_slice %arg3[%select_n3A, %mul3A_32] : memref<4x65536xf32, #tpu.memory_space<hbm>> -> memref<1x8192xf32, #tpu.memory_space<hbm>>
      %dma_wait3A_298 = tpu.memref_squeeze %dma_wait3A_297 : memref<1x8192xf32, #tpu.memory_space<hbm>> -> memref<8192xf32, #tpu.memory_space<hbm>>
      tpu.wait_dma2 semaphore(%run_scoped3A : memref<!tpu.dma_semaphore, #tpu.memory_space<semaphore_mem>>) src(%dma_wait3A_298 : memref<8192xf32, #tpu.memory_space<hbm>>) dst(%arg7 : memref<8192xf32, #tpu.memory_space<vmem>>)
      tpu.yield
    }) : () -> ()
    "tpu.region"() ({
      %run_scoped3A = tpu.sem_alloc : memref<!tpu.dma_semaphore, #tpu.memory_space<semaphore_mem>>
      %dma_start3A = tpu.memref_slice %arg4[%select_n3A, %mul3A_32] : memref<4x65536xf32, #tpu.memory_space<hbm>> -> memref<1x8192xf32, #tpu.memory_space<hbm>>
      %dma_start3A_293 = tpu.memref_squeeze %dma_start3A : memref<1x8192xf32, #tpu.memory_space<hbm>> -> memref<8192xf32, #tpu.memory_space<hbm>>
      %dma_start3A_294 = tpu.memref_slice %arg4[%select_n3A, %mul3A_32] : memref<4x65536xf32, #tpu.memory_space<hbm>> -> memref<1x8192xf32, #tpu.memory_space<hbm>>
      %dma_start3A_295 = tpu.memref_squeeze %dma_start3A_294 : memref<1x8192xf32, #tpu.memory_space<hbm>> -> memref<8192xf32, #tpu.memory_space<hbm>>
      tpu.enqueue_dma source(%dma_start3A_295 : memref<8192xf32, #tpu.memory_space<hbm>>) target(%arg8 : memref<8192xf32, #tpu.memory_space<vmem>>) target_semaphore(%run_scoped3A : memref<!tpu.dma_semaphore, #tpu.memory_space<semaphore_mem>>)
      %dma_wait3A = tpu.memref_slice %arg4[%select_n3A, %mul3A_32] : memref<4x65536xf32, #tpu.memory_space<hbm>> -> memref<1x8192xf32, #tpu.memory_space<hbm>>
      %dma_wait3A_296 = tpu.memref_squeeze %dma_wait3A : memref<1x8192xf32, #tpu.memory_space<hbm>> -> memref<8192xf32, #tpu.memory_space<hbm>>
      %dma_wait3A_297 = tpu.memref_slice %arg4[%select_n3A, %mul3A_32] : memref<4x65536xf32, #tpu.memory_space<hbm>> -> memref<1x8192xf32, #tpu.memory_space<hbm>>
      %dma_wait3A_298 = tpu.memref_squeeze %dma_wait3A_297 : memref<1x8192xf32, #tpu.memory_space<hbm>> -> memref<8192xf32, #tpu.memory_space<hbm>>
      tpu.wait_dma2 semaphore(%run_scoped3A : memref<!tpu.dma_semaphore, #tpu.memory_space<semaphore_mem>>) src(%dma_wait3A_298 : memref<8192xf32, #tpu.memory_space<hbm>>) dst(%arg8 : memref<8192xf32, #tpu.memory_space<vmem>>)
      tpu.yield
    }) : () -> ()
    %iota3A = tpu.iota {dimensions = array<i32: 0>} : vector<16xi32>
    %mul3A_33 = arith.constant 16 : i32
    %mul3A_34 = vector.broadcast %mul3A_33 : i32 to vector<16xi32>
    %mul3A_35 = arith.muli %iota3A, %mul3A_34 : vector<16xi32>
    %broadcast_in_dim3A = arith.constant 0.000000e+00 : f32
    %broadcast_in_dim3A_36 = vector.broadcast %broadcast_in_dim3A : f32 to vector<16xf32>
    %parallel_loop3A = arith.constant 0 : i32
    %parallel_loop3A_37 = arith.constant 64 : i32
    %parallel_loop3A_38 = arith.constant 1 : i32
    scf.for %parallel_loop3A_293 = %parallel_loop3A to %parallel_loop3A_37 step %parallel_loop3A_38  : i32 {
      %parallel_loop3A_294 = arith.constant 16 : i32
      %parallel_loop3A_295 = arith.muli %parallel_loop3A_293, %parallel_loop3A_294 : i32
      %parallel_loop3A_296 = arith.index_cast %parallel_loop3A_295 : i32 to index
      %parallel_loop3A_297 = tpu.vector_load %arg9[%parallel_loop3A_296] {strides = array<i32>} : memref<1024xf32, #tpu.memory_space<vmem>>, vector<16xf32>,
      tpu.vector_store %arg9[%parallel_loop3A_296], %broadcast_in_dim3A_36 {strides = array<i32>} : memref<1024xf32, #tpu.memory_space<vmem>>, vector<16xf32>,
      %parallel_loop3A_298 = arith.index_cast %parallel_loop3A_295 : i32 to index
      %parallel_loop3A_299 = tpu.vector_load %arg10[%parallel_loop3A_298] {strides = array<i32>} : memref<1024xf32, #tpu.memory_space<vmem>>, vector<16xf32>,
      tpu.vector_store %arg10[%parallel_loop3A_298], %broadcast_in_dim3A_36 {strides = array<i32>} : memref<1024xf32, #tpu.memory_space<vmem>>, vector<16xf32>,
      %parallel_loop3A_300 = arith.index_cast %parallel_loop3A_295 : i32 to index
      %parallel_loop3A_301 = tpu.vector_load %arg11[%parallel_loop3A_300] {strides = array<i32>} : memref<1024xf32, #tpu.memory_space<vmem>>, vector<16xf32>,
      tpu.vector_store %arg11[%parallel_loop3A_300], %broadcast_in_dim3A_36 {strides = array<i32>} : memref<1024xf32, #tpu.memory_space<vmem>>, vector<16xf32>,
      %parallel_loop3A_302 = arith.index_cast %parallel_loop3A_295 : i32 to index
      %parallel_loop3A_303 = tpu.vector_load %arg12[%parallel_loop3A_302] {strides = array<i32>} : memref<1024xf32, #tpu.memory_space<vmem>>, vector<16xf32>,
      tpu.vector_store %arg12[%parallel_loop3A_302], %broadcast_in_dim3A_36 {strides = array<i32>} : memref<1024xf32, #tpu.memory_space<vmem>>, vector<16xf32>,
    } {sc.loop_unroll_factor = 4 : i64, sc.parallel_access}
    %parallel_loop3A_39 = arith.constant 0 : i32
    %parallel_loop3A_40 = arith.constant 512 : i32
    %parallel_loop3A_41 = arith.constant 1 : i32
    scf.for %parallel_loop3A_293 = %parallel_loop3A_39 to %parallel_loop3A_40 step %parallel_loop3A_41  : i32 {
      %parallel_loop3A_294 = arith.constant 16 : i32
      %parallel_loop3A_295 = arith.muli %parallel_loop3A_293, %parallel_loop3A_294 : i32
      %parallel_loop3A_296 = arith.index_cast %parallel_loop3A_295 : i32 to index
      %parallel_loop3A_297 = tpu.vector_load %arg6[%parallel_loop3A_296] {strides = array<i32>} : memref<8192xi32, #tpu.memory_space<vmem>>, vector<16xi32>,
      %parallel_loop3A_298 = arith.index_cast %parallel_loop3A_295 : i32 to index
      %parallel_loop3A_299 = tpu.vector_load %arg7[%parallel_loop3A_298] {strides = array<i32>} : memref<8192xf32, #tpu.memory_space<vmem>>, vector<16xf32>,
      %parallel_loop3A_300 = arith.index_cast %parallel_loop3A_295 : i32 to index
      %parallel_loop3A_301 = tpu.vector_load %arg8[%parallel_loop3A_300] {strides = array<i32>} : memref<8192xf32, #tpu.memory_space<vmem>>, vector<16xf32>,
      %parallel_loop3A_302 = arith.constant 16 : i32
      %parallel_loop3A_303 = vector.broadcast %parallel_loop3A_302 : i32 to vector<16xi32>
      %parallel_loop3A_304 = arith.muli %parallel_loop3A_297, %parallel_loop3A_303 : vector<16xi32>
      %parallel_loop3A_305 = arith.addi %parallel_loop3A_304, %iota3A : vector<16xi32>
      tpu.vector_store_idx %arg9[%parallel_loop3A_305], %parallel_loop3A_299 {add = true} : memref<1024xf32, #tpu.memory_space<vmem>>[vector<16xi32>], vector<16xf32>,
      tpu.vector_store_idx %arg10[%parallel_loop3A_305], %parallel_loop3A_301 {add = true} : memref<1024xf32, #tpu.memory_space<vmem>>[vector<16xi32>], vector<16xf32>,
      %parallel_loop3A_306 = arith.mulf %parallel_loop3A_299, %parallel_loop3A_299 : vector<16xf32>
      tpu.vector_store_idx %arg11[%parallel_loop3A_305], %parallel_loop3A_306 {add = true} : memref<1024xf32, #tpu.memory_space<vmem>>[vector<16xi32>], vector<16xf32>,
      %parallel_loop3A_307 = arith.mulf %parallel_loop3A_301, %parallel_loop3A_301 : vector<16xf32>
      tpu.vector_store_idx %arg12[%parallel_loop3A_305], %parallel_loop3A_307 {add = true} : memref<1024xf32, #tpu.memory_space<vmem>>[vector<16xi32>], vector<16xf32>,
    } {sc.loop_unroll_factor = 4 : i64, sc.parallel_access}
    %mul3A_42 = arith.constant 2 : i32
    %mul3A_43 = vector.broadcast %mul3A_42 : i32 to vector<16xi32>
    %mul3A_44 = arith.muli %iota3A, %mul3A_43 : vector<16xi32>
    %add3A_45 = arith.constant 0 : i32
    %add3A_46 = vector.broadcast %add3A_45 : i32 to vector<16xi32>
    %add3A_47 = arith.addi %mul3A_44, %add3A_46 : vector<16xi32>
    %add3A_48 = arith.constant 0 : i32
    %add3A_49 = vector.broadcast %add3A_48 : i32 to vector<16xi32>
    %add3A_50 = arith.addi %mul3A_35, %add3A_49 : vector<16xi32>
    %gather3A = tpu.vector_load_idx %arg9[%add3A_50] : memref<1024xf32, #tpu.memory_space<vmem>>[vector<16xi32>], vector<16xf32>,
    %scan3A = arith.constant 1 : i32
    %scan3A_51 = arith.constant 15 : i32
    %scan3A_52 = arith.addi %scan3A, %scan3A_51 : i32
    %scan3A_53 = arith.constant 1 : i32
    %scan3A_54 = scf.for %scan3A_293 = %scan3A to %scan3A_52 step %scan3A_53 iter_args(%scan3A_294 = %gather3A) -> (vector<16xf32>)  : i32 {
      %add3A_295 = arith.constant 0 : i32
      %add3A_296 = arith.addi %add3A_295, %scan3A_293 : i32
      %add3A_297 = vector.broadcast %add3A_296 : i32 to vector<16xi32>
      %add3A_298 = arith.addi %mul3A_35, %add3A_297 : vector<16xi32>
      %gather3A_299 = tpu.vector_load_idx %arg9[%add3A_298] : memref<1024xf32, #tpu.memory_space<vmem>>[vector<16xi32>], vector<16xf32>,
      %add3A_300 = arith.addf %scan3A_294, %gather3A_299 : vector<16xf32>
      scf.yield %add3A_300 : vector<16xf32>
    }
    %scan3A_55 = arith.constant 15 : i32
    tpu.vector_store_idx %arg13[%add3A_47], %scan3A_54 : memref<256xf32, #tpu.memory_space<vmem>>[vector<16xi32>], vector<16xf32>,
    %add3A_56 = arith.constant 1 : i32
    %add3A_57 = vector.broadcast %add3A_56 : i32 to vector<16xi32>
    %add3A_58 = arith.addi %add3A_47, %add3A_57 : vector<16xi32>
    %add3A_59 = arith.constant 0 : i32
    %add3A_60 = vector.broadcast %add3A_59 : i32 to vector<16xi32>
    %add3A_61 = arith.addi %mul3A_35, %add3A_60 : vector<16xi32>
    %gather3A_62 = tpu.vector_load_idx %arg10[%add3A_61] : memref<1024xf32, #tpu.memory_space<vmem>>[vector<16xi32>], vector<16xf32>,
    %scan3A_63 = arith.constant 1 : i32
    %scan3A_64 = arith.constant 15 : i32
    %scan3A_65 = arith.addi %scan3A_63, %scan3A_64 : i32
    %scan3A_66 = arith.constant 1 : i32
    %scan3A_67 = scf.for %scan3A_293 = %scan3A_63 to %scan3A_65 step %scan3A_66 iter_args(%scan3A_294 = %gather3A_62) -> (vector<16xf32>)  : i32 {
      %add3A_295 = arith.constant 0 : i32
      %add3A_296 = arith.addi %add3A_295, %scan3A_293 : i32
      %add3A_297 = vector.broadcast %add3A_296 : i32 to vector<16xi32>
      %add3A_298 = arith.addi %mul3A_35, %add3A_297 : vector<16xi32>
      %gather3A_299 = tpu.vector_load_idx %arg10[%add3A_298] : memref<1024xf32, #tpu.memory_space<vmem>>[vector<16xi32>], vector<16xf32>,
      %add3A_300 = arith.addf %scan3A_294, %gather3A_299 : vector<16xf32>
      scf.yield %add3A_300 : vector<16xf32>
    }
    %scan3A_68 = arith.constant 15 : i32
    tpu.vector_store_idx %arg13[%add3A_58], %scan3A_67 : memref<256xf32, #tpu.memory_space<vmem>>[vector<16xi32>], vector<16xf32>,
    %add3A_69 = arith.constant 128 : i32
    %add3A_70 = vector.broadcast %add3A_69 : i32 to vector<16xi32>
    %add3A_71 = arith.addi %add3A_47, %add3A_70 : vector<16xi32>
    %add3A_72 = arith.constant 0 : i32
    %add3A_73 = vector.broadcast %add3A_72 : i32 to vector<16xi32>
    %add3A_74 = arith.addi %mul3A_35, %add3A_73 : vector<16xi32>
    %gather3A_75 = tpu.vector_load_idx %arg11[%add3A_74] : memref<1024xf32, #tpu.memory_space<vmem>>[vector<16xi32>], vector<16xf32>,
    %scan3A_76 = arith.constant 1 : i32
    %scan3A_77 = arith.constant 15 : i32
    %scan3A_78 = arith.addi %scan3A_76, %scan3A_77 : i32
    %scan3A_79 = arith.constant 1 : i32
    %scan3A_80 = scf.for %scan3A_293 = %scan3A_76 to %scan3A_78 step %scan3A_79 iter_args(%scan3A_294 = %gather3A_75) -> (vector<16xf32>)  : i32 {
      %add3A_295 = arith.constant 0 : i32
      %add3A_296 = arith.addi %add3A_295, %scan3A_293 : i32
      %add3A_297 = vector.broadcast %add3A_296 : i32 to vector<16xi32>
      %add3A_298 = arith.addi %mul3A_35, %add3A_297 : vector<16xi32>
      %gather3A_299 = tpu.vector_load_idx %arg11[%add3A_298] : memref<1024xf32, #tpu.memory_space<vmem>>[vector<16xi32>], vector<16xf32>,
      %add3A_300 = arith.addf %scan3A_294, %gather3A_299 : vector<16xf32>
      scf.yield %add3A_300 : vector<16xf32>
    }
    %scan3A_81 = arith.constant 15 : i32
    tpu.vector_store_idx %arg13[%add3A_71], %scan3A_80 : memref<256xf32, #tpu.memory_space<vmem>>[vector<16xi32>], vector<16xf32>,
    %add3A_82 = arith.constant 128 : i32
    %add3A_83 = vector.broadcast %add3A_82 : i32 to vector<16xi32>
    %add3A_84 = arith.addi %add3A_47, %add3A_83 : vector<16xi32>
    %add3A_85 = arith.constant 1 : i32
    %add3A_86 = vector.broadcast %add3A_85 : i32 to vector<16xi32>
    %add3A_87 = arith.addi %add3A_84, %add3A_86 : vector<16xi32>
    %add3A_88 = arith.constant 0 : i32
    %add3A_89 = vector.broadcast %add3A_88 : i32 to vector<16xi32>
    %add3A_90 = arith.addi %mul3A_35, %add3A_89 : vector<16xi32>
    %gather3A_91 = tpu.vector_load_idx %arg12[%add3A_90] : memref<1024xf32, #tpu.memory_space<vmem>>[vector<16xi32>], vector<16xf32>,
    %scan3A_92 = arith.constant 1 : i32
    %scan3A_93 = arith.constant 15 : i32
    %scan3A_94 = arith.addi %scan3A_92, %scan3A_93 : i32
    %scan3A_95 = arith.constant 1 : i32
    %scan3A_96 = scf.for %scan3A_293 = %scan3A_92 to %scan3A_94 step %scan3A_95 iter_args(%scan3A_294 = %gather3A_91) -> (vector<16xf32>)  : i32 {
      %add3A_295 = arith.constant 0 : i32
      %add3A_296 = arith.addi %add3A_295, %scan3A_293 : i32
      %add3A_297 = vector.broadcast %add3A_296 : i32 to vector<16xi32>
      %add3A_298 = arith.addi %mul3A_35, %add3A_297 : vector<16xi32>
      %gather3A_299 = tpu.vector_load_idx %arg12[%add3A_298] : memref<1024xf32, #tpu.memory_space<vmem>>[vector<16xi32>], vector<16xf32>,
      %add3A_300 = arith.addf %scan3A_294, %gather3A_299 : vector<16xf32>
      scf.yield %add3A_300 : vector<16xf32>
    }
    %scan3A_97 = arith.constant 15 : i32
    tpu.vector_store_idx %arg13[%add3A_87], %scan3A_96 : memref<256xf32, #tpu.memory_space<vmem>>[vector<16xi32>], vector<16xf32>,
    %mul3A_98 = arith.constant 2 : i32
    %mul3A_99 = vector.broadcast %mul3A_98 : i32 to vector<16xi32>
    %mul3A_100 = arith.muli %iota3A, %mul3A_99 : vector<16xi32>
    %add3A_101 = arith.constant 32 : i32
    %add3A_102 = vector.broadcast %add3A_101 : i32 to vector<16xi32>
    %add3A_103 = arith.addi %mul3A_100, %add3A_102 : vector<16xi32>
    %add3A_104 = arith.constant 256 : i32
    %add3A_105 = vector.broadcast %add3A_104 : i32 to vector<16xi32>
    %add3A_106 = arith.addi %mul3A_35, %add3A_105 : vector<16xi32>
    %gather3A_107 = tpu.vector_load_idx %arg9[%add3A_106] : memref<1024xf32, #tpu.memory_space<vmem>>[vector<16xi32>], vector<16xf32>,
    %scan3A_108 = arith.constant 1 : i32
    %scan3A_109 = arith.constant 15 : i32
    %scan3A_110 = arith.addi %scan3A_108, %scan3A_109 : i32
    %scan3A_111 = arith.constant 1 : i32
    %scan3A_112 = scf.for %scan3A_293 = %scan3A_108 to %scan3A_110 step %scan3A_111 iter_args(%scan3A_294 = %gather3A_107) -> (vector<16xf32>)  : i32 {
      %add3A_295 = arith.constant 256 : i32
      %add3A_296 = arith.addi %add3A_295, %scan3A_293 : i32
      %add3A_297 = vector.broadcast %add3A_296 : i32 to vector<16xi32>
      %add3A_298 = arith.addi %mul3A_35, %add3A_297 : vector<16xi32>
      %gather3A_299 = tpu.vector_load_idx %arg9[%add3A_298] : memref<1024xf32, #tpu.memory_space<vmem>>[vector<16xi32>], vector<16xf32>,
      %add3A_300 = arith.addf %scan3A_294, %gather3A_299 : vector<16xf32>
      scf.yield %add3A_300 : vector<16xf32>
    }
    %scan3A_113 = arith.constant 15 : i32
    tpu.vector_store_idx %arg13[%add3A_103], %scan3A_112 : memref<256xf32, #tpu.memory_space<vmem>>[vector<16xi32>], vector<16xf32>,
    %add3A_114 = arith.constant 1 : i32
    %add3A_115 = vector.broadcast %add3A_114 : i32 to vector<16xi32>
    %add3A_116 = arith.addi %add3A_103, %add3A_115 : vector<16xi32>
    %add3A_117 = arith.constant 256 : i32
    %add3A_118 = vector.broadcast %add3A_117 : i32 to vector<16xi32>
    %add3A_119 = arith.addi %mul3A_35, %add3A_118 : vector<16xi32>
    %gather3A_120 = tpu.vector_load_idx %arg10[%add3A_119] : memref<1024xf32, #tpu.memory_space<vmem>>[vector<16xi32>], vector<16xf32>,
    %scan3A_121 = arith.constant 1 : i32
    %scan3A_122 = arith.constant 15 : i32
    %scan3A_123 = arith.addi %scan3A_121, %scan3A_122 : i32
    %scan3A_124 = arith.constant 1 : i32
    %scan3A_125 = scf.for %scan3A_293 = %scan3A_121 to %scan3A_123 step %scan3A_124 iter_args(%scan3A_294 = %gather3A_120) -> (vector<16xf32>)  : i32 {
      %add3A_295 = arith.constant 256 : i32
      %add3A_296 = arith.addi %add3A_295, %scan3A_293 : i32
      %add3A_297 = vector.broadcast %add3A_296 : i32 to vector<16xi32>
      %add3A_298 = arith.addi %mul3A_35, %add3A_297 : vector<16xi32>
      %gather3A_299 = tpu.vector_load_idx %arg10[%add3A_298] : memref<1024xf32, #tpu.memory_space<vmem>>[vector<16xi32>], vector<16xf32>,
      %add3A_300 = arith.addf %scan3A_294, %gather3A_299 : vector<16xf32>
      scf.yield %add3A_300 : vector<16xf32>
    }
    %scan3A_126 = arith.constant 15 : i32
    tpu.vector_store_idx %arg13[%add3A_116], %scan3A_125 : memref<256xf32, #tpu.memory_space<vmem>>[vector<16xi32>], vector<16xf32>,
    %add3A_127 = arith.constant 128 : i32
    %add3A_128 = vector.broadcast %add3A_127 : i32 to vector<16xi32>
    %add3A_129 = arith.addi %add3A_103, %add3A_128 : vector<16xi32>
    %add3A_130 = arith.constant 256 : i32
    %add3A_131 = vector.broadcast %add3A_130 : i32 to vector<16xi32>
    %add3A_132 = arith.addi %mul3A_35, %add3A_131 : vector<16xi32>
    %gather3A_133 = tpu.vector_load_idx %arg11[%add3A_132] : memref<1024xf32, #tpu.memory_space<vmem>>[vector<16xi32>], vector<16xf32>,
    %scan3A_134 = arith.constant 1 : i32
    %scan3A_135 = arith.constant 15 : i32
    %scan3A_136 = arith.addi %scan3A_134, %scan3A_135 : i32
    %scan3A_137 = arith.constant 1 : i32
    %scan3A_138 = scf.for %scan3A_293 = %scan3A_134 to %scan3A_136 step %scan3A_137 iter_args(%scan3A_294 = %gather3A_133) -> (vector<16xf32>)  : i32 {
      %add3A_295 = arith.constant 256 : i32
      %add3A_296 = arith.addi %add3A_295, %scan3A_293 : i32
      %add3A_297 = vector.broadcast %add3A_296 : i32 to vector<16xi32>
      %add3A_298 = arith.addi %mul3A_35, %add3A_297 : vector<16xi32>
      %gather3A_299 = tpu.vector_load_idx %arg11[%add3A_298] : memref<1024xf32, #tpu.memory_space<vmem>>[vector<16xi32>], vector<16xf32>,
      %add3A_300 = arith.addf %scan3A_294, %gather3A_299 : vector<16xf32>
      scf.yield %add3A_300 : vector<16xf32>
    }
    %scan3A_139 = arith.constant 15 : i32
    tpu.vector_store_idx %arg13[%add3A_129], %scan3A_138 : memref<256xf32, #tpu.memory_space<vmem>>[vector<16xi32>], vector<16xf32>,
    %add3A_140 = arith.constant 128 : i32
    %add3A_141 = vector.broadcast %add3A_140 : i32 to vector<16xi32>
    %add3A_142 = arith.addi %add3A_103, %add3A_141 : vector<16xi32>
    %add3A_143 = arith.constant 1 : i32
    %add3A_144 = vector.broadcast %add3A_143 : i32 to vector<16xi32>
    %add3A_145 = arith.addi %add3A_142, %add3A_144 : vector<16xi32>
    %add3A_146 = arith.constant 256 : i32
    %add3A_147 = vector.broadcast %add3A_146 : i32 to vector<16xi32>
    %add3A_148 = arith.addi %mul3A_35, %add3A_147 : vector<16xi32>
    %gather3A_149 = tpu.vector_load_idx %arg12[%add3A_148] : memref<1024xf32, #tpu.memory_space<vmem>>[vector<16xi32>], vector<16xf32>,
    %scan3A_150 = arith.constant 1 : i32
    %scan3A_151 = arith.constant 15 : i32
    %scan3A_152 = arith.addi %scan3A_150, %scan3A_151 : i32
    %scan3A_153 = arith.constant 1 : i32
    %scan3A_154 = scf.for %scan3A_293 = %scan3A_150 to %scan3A_152 step %scan3A_153 iter_args(%scan3A_294 = %gather3A_149) -> (vector<16xf32>)  : i32 {
      %add3A_295 = arith.constant 256 : i32
      %add3A_296 = arith.addi %add3A_295, %scan3A_293 : i32
      %add3A_297 = vector.broadcast %add3A_296 : i32 to vector<16xi32>
      %add3A_298 = arith.addi %mul3A_35, %add3A_297 : vector<16xi32>
      %gather3A_299 = tpu.vector_load_idx %arg12[%add3A_298] : memref<1024xf32, #tpu.memory_space<vmem>>[vector<16xi32>], vector<16xf32>,
      %add3A_300 = arith.addf %scan3A_294, %gather3A_299 : vector<16xf32>
      scf.yield %add3A_300 : vector<16xf32>
    }
    %scan3A_155 = arith.constant 15 : i32
    tpu.vector_store_idx %arg13[%add3A_145], %scan3A_154 : memref<256xf32, #tpu.memory_space<vmem>>[vector<16xi32>], vector<16xf32>,
    %mul3A_156 = arith.constant 2 : i32
    %mul3A_157 = vector.broadcast %mul3A_156 : i32 to vector<16xi32>
    %mul3A_158 = arith.muli %iota3A, %mul3A_157 : vector<16xi32>
    %add3A_159 = arith.constant 64 : i32
    %add3A_160 = vector.broadcast %add3A_159 : i32 to vector<16xi32>
    %add3A_161 = arith.addi %mul3A_158, %add3A_160 : vector<16xi32>
    %add3A_162 = arith.constant 512 : i32
    %add3A_163 = vector.broadcast %add3A_162 : i32 to vector<16xi32>
    %add3A_164 = arith.addi %mul3A_35, %add3A_163 : vector<16xi32>
    %gather3A_165 = tpu.vector_load_idx %arg9[%add3A_164] : memref<1024xf32, #tpu.memory_space<vmem>>[vector<16xi32>], vector<16xf32>,
    %scan3A_166 = arith.constant 1 : i32
    %scan3A_167 = arith.constant 15 : i32
    %scan3A_168 = arith.addi %scan3A_166, %scan3A_167 : i32
    %scan3A_169 = arith.constant 1 : i32
    %scan3A_170 = scf.for %scan3A_293 = %scan3A_166 to %scan3A_168 step %scan3A_169 iter_args(%scan3A_294 = %gather3A_165) -> (vector<16xf32>)  : i32 {
      %add3A_295 = arith.constant 512 : i32
      %add3A_296 = arith.addi %add3A_295, %scan3A_293 : i32
      %add3A_297 = vector.broadcast %add3A_296 : i32 to vector<16xi32>
      %add3A_298 = arith.addi %mul3A_35, %add3A_297 : vector<16xi32>
      %gather3A_299 = tpu.vector_load_idx %arg9[%add3A_298] : memref<1024xf32, #tpu.memory_space<vmem>>[vector<16xi32>], vector<16xf32>,
      %add3A_300 = arith.addf %scan3A_294, %gather3A_299 : vector<16xf32>
      scf.yield %add3A_300 : vector<16xf32>
    }
    %scan3A_171 = arith.constant 15 : i32
    tpu.vector_store_idx %arg13[%add3A_161], %scan3A_170 : memref<256xf32, #tpu.memory_space<vmem>>[vector<16xi32>], vector<16xf32>,
    %add3A_172 = arith.constant 1 : i32
    %add3A_173 = vector.broadcast %add3A_172 : i32 to vector<16xi32>
    %add3A_174 = arith.addi %add3A_161, %add3A_173 : vector<16xi32>
    %add3A_175 = arith.constant 512 : i32
    %add3A_176 = vector.broadcast %add3A_175 : i32 to vector<16xi32>
    %add3A_177 = arith.addi %mul3A_35, %add3A_176 : vector<16xi32>
    %gather3A_178 = tpu.vector_load_idx %arg10[%add3A_177] : memref<1024xf32, #tpu.memory_space<vmem>>[vector<16xi32>], vector<16xf32>,
    %scan3A_179 = arith.constant 1 : i32
    %scan3A_180 = arith.constant 15 : i32
    %scan3A_181 = arith.addi %scan3A_179, %scan3A_180 : i32
    %scan3A_182 = arith.constant 1 : i32
    %scan3A_183 = scf.for %scan3A_293 = %scan3A_179 to %scan3A_181 step %scan3A_182 iter_args(%scan3A_294 = %gather3A_178) -> (vector<16xf32>)  : i32 {
      %add3A_295 = arith.constant 512 : i32
      %add3A_296 = arith.addi %add3A_295, %scan3A_293 : i32
      %add3A_297 = vector.broadcast %add3A_296 : i32 to vector<16xi32>
      %add3A_298 = arith.addi %mul3A_35, %add3A_297 : vector<16xi32>
      %gather3A_299 = tpu.vector_load_idx %arg10[%add3A_298] : memref<1024xf32, #tpu.memory_space<vmem>>[vector<16xi32>], vector<16xf32>,
      %add3A_300 = arith.addf %scan3A_294, %gather3A_299 : vector<16xf32>
      scf.yield %add3A_300 : vector<16xf32>
    }
    %scan3A_184 = arith.constant 15 : i32
    tpu.vector_store_idx %arg13[%add3A_174], %scan3A_183 : memref<256xf32, #tpu.memory_space<vmem>>[vector<16xi32>], vector<16xf32>,
    %add3A_185 = arith.constant 128 : i32
    %add3A_186 = vector.broadcast %add3A_185 : i32 to vector<16xi32>
    %add3A_187 = arith.addi %add3A_161, %add3A_186 : vector<16xi32>
    %add3A_188 = arith.constant 512 : i32
    %add3A_189 = vector.broadcast %add3A_188 : i32 to vector<16xi32>
    %add3A_190 = arith.addi %mul3A_35, %add3A_189 : vector<16xi32>
    %gather3A_191 = tpu.vector_load_idx %arg11[%add3A_190] : memref<1024xf32, #tpu.memory_space<vmem>>[vector<16xi32>], vector<16xf32>,
    %scan3A_192 = arith.constant 1 : i32
    %scan3A_193 = arith.constant 15 : i32
    %scan3A_194 = arith.addi %scan3A_192, %scan3A_193 : i32
    %scan3A_195 = arith.constant 1 : i32
    %scan3A_196 = scf.for %scan3A_293 = %scan3A_192 to %scan3A_194 step %scan3A_195 iter_args(%scan3A_294 = %gather3A_191) -> (vector<16xf32>)  : i32 {
      %add3A_295 = arith.constant 512 : i32
      %add3A_296 = arith.addi %add3A_295, %scan3A_293 : i32
      %add3A_297 = vector.broadcast %add3A_296 : i32 to vector<16xi32>
      %add3A_298 = arith.addi %mul3A_35, %add3A_297 : vector<16xi32>
      %gather3A_299 = tpu.vector_load_idx %arg11[%add3A_298] : memref<1024xf32, #tpu.memory_space<vmem>>[vector<16xi32>], vector<16xf32>,
      %add3A_300 = arith.addf %scan3A_294, %gather3A_299 : vector<16xf32>
      scf.yield %add3A_300 : vector<16xf32>
    }
    %scan3A_197 = arith.constant 15 : i32
    tpu.vector_store_idx %arg13[%add3A_187], %scan3A_196 : memref<256xf32, #tpu.memory_space<vmem>>[vector<16xi32>], vector<16xf32>,
    %add3A_198 = arith.constant 128 : i32
    %add3A_199 = vector.broadcast %add3A_198 : i32 to vector<16xi32>
    %add3A_200 = arith.addi %add3A_161, %add3A_199 : vector<16xi32>
    %add3A_201 = arith.constant 1 : i32
    %add3A_202 = vector.broadcast %add3A_201 : i32 to vector<16xi32>
    %add3A_203 = arith.addi %add3A_200, %add3A_202 : vector<16xi32>
    %add3A_204 = arith.constant 512 : i32
    %add3A_205 = vector.broadcast %add3A_204 : i32 to vector<16xi32>
    %add3A_206 = arith.addi %mul3A_35, %add3A_205 : vector<16xi32>
    %gather3A_207 = tpu.vector_load_idx %arg12[%add3A_206] : memref<1024xf32, #tpu.memory_space<vmem>>[vector<16xi32>], vector<16xf32>,
    %scan3A_208 = arith.constant 1 : i32
    %scan3A_209 = arith.constant 15 : i32
    %scan3A_210 = arith.addi %scan3A_208, %scan3A_209 : i32
    %scan3A_211 = arith.constant 1 : i32
    %scan3A_212 = scf.for %scan3A_293 = %scan3A_208 to %scan3A_210 step %scan3A_211 iter_args(%scan3A_294 = %gather3A_207) -> (vector<16xf32>)  : i32 {
      %add3A_295 = arith.constant 512 : i32
      %add3A_296 = arith.addi %add3A_295, %scan3A_293 : i32
      %add3A_297 = vector.broadcast %add3A_296 : i32 to vector<16xi32>
      %add3A_298 = arith.addi %mul3A_35, %add3A_297 : vector<16xi32>
      %gather3A_299 = tpu.vector_load_idx %arg12[%add3A_298] : memref<1024xf32, #tpu.memory_space<vmem>>[vector<16xi32>], vector<16xf32>,
      %add3A_300 = arith.addf %scan3A_294, %gather3A_299 : vector<16xf32>
      scf.yield %add3A_300 : vector<16xf32>
    }
    %scan3A_213 = arith.constant 15 : i32
    tpu.vector_store_idx %arg13[%add3A_203], %scan3A_212 : memref<256xf32, #tpu.memory_space<vmem>>[vector<16xi32>], vector<16xf32>,
    %mul3A_214 = arith.constant 2 : i32
    %mul3A_215 = vector.broadcast %mul3A_214 : i32 to vector<16xi32>
    %mul3A_216 = arith.muli %iota3A, %mul3A_215 : vector<16xi32>
    %add3A_217 = arith.constant 96 : i32
    %add3A_218 = vector.broadcast %add3A_217 : i32 to vector<16xi32>
    %add3A_219 = arith.addi %mul3A_216, %add3A_218 : vector<16xi32>
    %add3A_220 = arith.constant 768 : i32
    %add3A_221 = vector.broadcast %add3A_220 : i32 to vector<16xi32>
    %add3A_222 = arith.addi %mul3A_35, %add3A_221 : vector<16xi32>
    %gather3A_223 = tpu.vector_load_idx %arg9[%add3A_222] : memref<1024xf32, #tpu.memory_space<vmem>>[vector<16xi32>], vector<16xf32>,
    %scan3A_224 = arith.constant 1 : i32
    %scan3A_225 = arith.constant 15 : i32
    %scan3A_226 = arith.addi %scan3A_224, %scan3A_225 : i32
    %scan3A_227 = arith.constant 1 : i32
    %scan3A_228 = scf.for %scan3A_293 = %scan3A_224 to %scan3A_226 step %scan3A_227 iter_args(%scan3A_294 = %gather3A_223) -> (vector<16xf32>)  : i32 {
      %add3A_295 = arith.constant 768 : i32
      %add3A_296 = arith.addi %add3A_295, %scan3A_293 : i32
      %add3A_297 = vector.broadcast %add3A_296 : i32 to vector<16xi32>
      %add3A_298 = arith.addi %mul3A_35, %add3A_297 : vector<16xi32>
      %gather3A_299 = tpu.vector_load_idx %arg9[%add3A_298] : memref<1024xf32, #tpu.memory_space<vmem>>[vector<16xi32>], vector<16xf32>,
      %add3A_300 = arith.addf %scan3A_294, %gather3A_299 : vector<16xf32>
      scf.yield %add3A_300 : vector<16xf32>
    }
    %scan3A_229 = arith.constant 15 : i32
    tpu.vector_store_idx %arg13[%add3A_219], %scan3A_228 : memref<256xf32, #tpu.memory_space<vmem>>[vector<16xi32>], vector<16xf32>,
    %add3A_230 = arith.constant 1 : i32
    %add3A_231 = vector.broadcast %add3A_230 : i32 to vector<16xi32>
    %add3A_232 = arith.addi %add3A_219, %add3A_231 : vector<16xi32>
    %add3A_233 = arith.constant 768 : i32
    %add3A_234 = vector.broadcast %add3A_233 : i32 to vector<16xi32>
    %add3A_235 = arith.addi %mul3A_35, %add3A_234 : vector<16xi32>
    %gather3A_236 = tpu.vector_load_idx %arg10[%add3A_235] : memref<1024xf32, #tpu.memory_space<vmem>>[vector<16xi32>], vector<16xf32>,
    %scan3A_237 = arith.constant 1 : i32
    %scan3A_238 = arith.constant 15 : i32
    %scan3A_239 = arith.addi %scan3A_237, %scan3A_238 : i32
    %scan3A_240 = arith.constant 1 : i32
    %scan3A_241 = scf.for %scan3A_293 = %scan3A_237 to %scan3A_239 step %scan3A_240 iter_args(%scan3A_294 = %gather3A_236) -> (vector<16xf32>)  : i32 {
      %add3A_295 = arith.constant 768 : i32
      %add3A_296 = arith.addi %add3A_295, %scan3A_293 : i32
      %add3A_297 = vector.broadcast %add3A_296 : i32 to vector<16xi32>
      %add3A_298 = arith.addi %mul3A_35, %add3A_297 : vector<16xi32>
      %gather3A_299 = tpu.vector_load_idx %arg10[%add3A_298] : memref<1024xf32, #tpu.memory_space<vmem>>[vector<16xi32>], vector<16xf32>,
      %add3A_300 = arith.addf %scan3A_294, %gather3A_299 : vector<16xf32>
      scf.yield %add3A_300 : vector<16xf32>
    }
    %scan3A_242 = arith.constant 15 : i32
    tpu.vector_store_idx %arg13[%add3A_232], %scan3A_241 : memref<256xf32, #tpu.memory_space<vmem>>[vector<16xi32>], vector<16xf32>,
    %add3A_243 = arith.constant 128 : i32
    %add3A_244 = vector.broadcast %add3A_243 : i32 to vector<16xi32>
    %add3A_245 = arith.addi %add3A_219, %add3A_244 : vector<16xi32>
    %add3A_246 = arith.constant 768 : i32
    %add3A_247 = vector.broadcast %add3A_246 : i32 to vector<16xi32>
    %add3A_248 = arith.addi %mul3A_35, %add3A_247 : vector<16xi32>
    %gather3A_249 = tpu.vector_load_idx %arg11[%add3A_248] : memref<1024xf32, #tpu.memory_space<vmem>>[vector<16xi32>], vector<16xf32>,
    %scan3A_250 = arith.constant 1 : i32
    %scan3A_251 = arith.constant 15 : i32
    %scan3A_252 = arith.addi %scan3A_250, %scan3A_251 : i32
    %scan3A_253 = arith.constant 1 : i32
    %scan3A_254 = scf.for %scan3A_293 = %scan3A_250 to %scan3A_252 step %scan3A_253 iter_args(%scan3A_294 = %gather3A_249) -> (vector<16xf32>)  : i32 {
      %add3A_295 = arith.constant 768 : i32
      %add3A_296 = arith.addi %add3A_295, %scan3A_293 : i32
      %add3A_297 = vector.broadcast %add3A_296 : i32 to vector<16xi32>
      %add3A_298 = arith.addi %mul3A_35, %add3A_297 : vector<16xi32>
      %gather3A_299 = tpu.vector_load_idx %arg11[%add3A_298] : memref<1024xf32, #tpu.memory_space<vmem>>[vector<16xi32>], vector<16xf32>,
      %add3A_300 = arith.addf %scan3A_294, %gather3A_299 : vector<16xf32>
      scf.yield %add3A_300 : vector<16xf32>
    }
    %scan3A_255 = arith.constant 15 : i32
    tpu.vector_store_idx %arg13[%add3A_245], %scan3A_254 : memref<256xf32, #tpu.memory_space<vmem>>[vector<16xi32>], vector<16xf32>,
    %add3A_256 = arith.constant 128 : i32
    %add3A_257 = vector.broadcast %add3A_256 : i32 to vector<16xi32>
    %add3A_258 = arith.addi %add3A_219, %add3A_257 : vector<16xi32>
    %add3A_259 = arith.constant 1 : i32
    %add3A_260 = vector.broadcast %add3A_259 : i32 to vector<16xi32>
    %add3A_261 = arith.addi %add3A_258, %add3A_260 : vector<16xi32>
    %add3A_262 = arith.constant 768 : i32
    %add3A_263 = vector.broadcast %add3A_262 : i32 to vector<16xi32>
    %add3A_264 = arith.addi %mul3A_35, %add3A_263 : vector<16xi32>
    %gather3A_265 = tpu.vector_load_idx %arg12[%add3A_264] : memref<1024xf32, #tpu.memory_space<vmem>>[vector<16xi32>], vector<16xf32>,
    %scan3A_266 = arith.constant 1 : i32
    %scan3A_267 = arith.constant 15 : i32
    %scan3A_268 = arith.addi %scan3A_266, %scan3A_267 : i32
    %scan3A_269 = arith.constant 1 : i32
    %scan3A_270 = scf.for %scan3A_293 = %scan3A_266 to %scan3A_268 step %scan3A_269 iter_args(%scan3A_294 = %gather3A_265) -> (vector<16xf32>)  : i32 {
      %add3A_295 = arith.constant 768 : i32
      %add3A_296 = arith.addi %add3A_295, %scan3A_293 : i32
      %add3A_297 = vector.broadcast %add3A_296 : i32 to vector<16xi32>
      %add3A_298 = arith.addi %mul3A_35, %add3A_297 : vector<16xi32>
      %gather3A_299 = tpu.vector_load_idx %arg12[%add3A_298] : memref<1024xf32, #tpu.memory_space<vmem>>[vector<16xi32>], vector<16xf32>,
      %add3A_300 = arith.addf %scan3A_294, %gather3A_299 : vector<16xf32>
      scf.yield %add3A_300 : vector<16xf32>
    }
    %scan3A_271 = arith.constant 15 : i32
    tpu.vector_store_idx %arg13[%add3A_261], %scan3A_270 : memref<256xf32, #tpu.memory_space<vmem>>[vector<16xi32>], vector<16xf32>,
    %mul3A_272 = arith.constant 256 : i32
    %mul3A_273 = arith.muli %arg1, %mul3A_272 : i32
    "tpu.region"() ({
      %run_scoped3A = tpu.sem_alloc : memref<!tpu.dma_semaphore, #tpu.memory_space<semaphore_mem>>
      %dma_start3A = tpu.memref_slice %arg15[%mul3A_273] : memref<4096xf32, #tpu.memory_space<vmem_shared>> -> memref<256xf32, #tpu.memory_space<vmem_shared>>
      %dma_start3A_293 = tpu.memref_slice %arg15[%mul3A_273] : memref<4096xf32, #tpu.memory_space<vmem_shared>> -> memref<256xf32, #tpu.memory_space<vmem_shared>>
      tpu.enqueue_dma source(%arg13 : memref<256xf32, #tpu.memory_space<vmem>>) target(%dma_start3A_293 : memref<256xf32, #tpu.memory_space<vmem_shared>>) target_semaphore(%run_scoped3A : memref<!tpu.dma_semaphore, #tpu.memory_space<semaphore_mem>>)
      %dma_wait3A = tpu.memref_slice %arg15[%mul3A_273] : memref<4096xf32, #tpu.memory_space<vmem_shared>> -> memref<256xf32, #tpu.memory_space<vmem_shared>>
      %dma_wait3A_294 = tpu.memref_slice %arg15[%mul3A_273] : memref<4096xf32, #tpu.memory_space<vmem_shared>> -> memref<256xf32, #tpu.memory_space<vmem_shared>>
      tpu.wait_dma2 semaphore(%run_scoped3A : memref<!tpu.dma_semaphore, #tpu.memory_space<semaphore_mem>>) src(%arg13 : memref<256xf32, #tpu.memory_space<vmem>>) dst(%dma_wait3A_294 : memref<256xf32, #tpu.memory_space<vmem_shared>>)
      tpu.yield
    }) : () -> ()
    %barrier3A = arith.constant 0 : index
    tpu.barrier barrier_id(%barrier3A)
    %jit3A_274 = arith.constant 8 : i32
    %eq3A_275 = arith.constant 0 : i32
    %eq3A_276 = arith.cmpi eq, %jit3A_274, %eq3A_275 : i32
    %jit3A_277 = arith.constant 1 : i32
    %select_n3A_278 = arith.select %eq3A_276, %jit3A_277, %jit3A_274 : i32
    %rem3A_279 = arith.remsi %arg1, %select_n3A_278 : i32
    %ne3A_280 = arith.constant 0 : i32
    %ne3A_281 = arith.cmpi ne, %rem3A_279, %ne3A_280 : i32
    %lt3A_282 = arith.constant 0 : i32
    %lt3A_283 = arith.cmpi slt, %rem3A_279, %lt3A_282 : i32
    %lt3A_284 = arith.constant 0 : i32
    %lt3A_285 = arith.cmpi slt, %select_n3A_278, %lt3A_284 : i32
    %ne3A_286 = arith.xori %lt3A_283, %lt3A_285 : i1
    %and3A_287 = arith.andi %ne3A_286, %ne3A_281 : i1
    %add3A_288 = arith.addi %rem3A_279, %select_n3A_278 : i32
    %select_n3A_289 = arith.select %and3A_287, %add3A_288, %rem3A_279 : i32
    %eq3A_290 = arith.constant 0 : i32
    %eq3A_291 = arith.cmpi eq, %select_n3A_289, %eq3A_290 : i32
    %convert_element_type3A = arith.extui %eq3A_291 : i1 to i32
    %cond3A = arith.constant 0 : i32
    %cond3A_292 = arith.cmpi ne, %convert_element_type3A, %cond3A : i32
    scf.if %cond3A_292 {
      %mul3A_293 = arith.constant 256 : i32
      %mul3A_294 = arith.muli %arg1, %mul3A_293 : i32
      "tpu.region"() ({
        %run_scoped3A = tpu.sem_alloc : memref<!tpu.dma_semaphore, #tpu.memory_space<semaphore_mem>>
        %dma_start3A = tpu.memref_slice %arg15[%mul3A_294] : memref<4096xf32, #tpu.memory_space<vmem_shared>> -> memref<2048xf32, #tpu.memory_space<vmem_shared>>
        %dma_start3A_301 = tpu.memref_slice %arg15[%mul3A_294] : memref<4096xf32, #tpu.memory_space<vmem_shared>> -> memref<2048xf32, #tpu.memory_space<vmem_shared>>
        tpu.enqueue_dma source(%dma_start3A_301 : memref<2048xf32, #tpu.memory_space<vmem_shared>>) target(%arg14 : memref<2048xf32, #tpu.memory_space<vmem>>) target_semaphore(%run_scoped3A : memref<!tpu.dma_semaphore, #tpu.memory_space<semaphore_mem>>)
        %dma_wait3A = tpu.memref_slice %arg15[%mul3A_294] : memref<4096xf32, #tpu.memory_space<vmem_shared>> -> memref<2048xf32, #tpu.memory_space<vmem_shared>>
        %dma_wait3A_302 = tpu.memref_slice %arg15[%mul3A_294] : memref<4096xf32, #tpu.memory_space<vmem_shared>> -> memref<2048xf32, #tpu.memory_space<vmem_shared>>
        tpu.wait_dma2 semaphore(%run_scoped3A : memref<!tpu.dma_semaphore, #tpu.memory_space<semaphore_mem>>) src(%dma_wait3A_302 : memref<2048xf32, #tpu.memory_space<vmem_shared>>) dst(%arg14 : memref<2048xf32, #tpu.memory_space<vmem>>)
        tpu.yield
      }) : () -> ()
      %scan3A_295 = arith.constant 0 : i32
      %scan3A_296 = arith.constant 0 : i32
      %scan3A_297 = arith.constant 16 : i32
      %scan3A_298 = arith.addi %scan3A_296, %scan3A_297 : i32
      %scan3A_299 = arith.constant 1 : i32
      scf.for %scan3A_301 = %scan3A_296 to %scan3A_298 step %scan3A_299  : i32 {
        %mul3A_302 = arith.constant 16 : i32
        %mul3A_303 = arith.muli %scan3A_301, %mul3A_302 : i32
        %get3A = arith.index_cast %mul3A_303 : i32 to index
        %get3A_304 = tpu.vector_load %arg14[%get3A] {strides = array<i32>} : memref<2048xf32, #tpu.memory_space<vmem>>, vector<16xf32>,
        %scan3A_305 = arith.constant 1 : i32
        %scan3A_306 = arith.constant 7 : i32
        %scan3A_307 = arith.addi %scan3A_305, %scan3A_306 : i32
        %scan3A_308 = arith.constant 1 : i32
        %scan3A_309 = scf.for %scan3A_314 = %scan3A_305 to %scan3A_307 step %scan3A_308 iter_args(%scan3A_315 = %get3A_304) -> (vector<16xf32>)  : i32 {
          %mul3A_316 = arith.constant 256 : i32
          %mul3A_317 = arith.muli %scan3A_314, %mul3A_316 : i32
          %mul3A_318 = arith.constant 16 : i32
          %mul3A_319 = arith.muli %scan3A_301, %mul3A_318 : i32
          %add3A_320 = arith.addi %mul3A_317, %mul3A_319 : i32
          %get3A_321 = arith.index_cast %add3A_320 : i32 to index
          %get3A_322 = tpu.vector_load %arg14[%get3A_321] {strides = array<i32>} : memref<2048xf32, #tpu.memory_space<vmem>>, vector<16xf32>,
          %add3A_323 = arith.addf %scan3A_315, %get3A_322 : vector<16xf32>
          scf.yield %add3A_323 : vector<16xf32>
        }
        %scan3A_310 = arith.constant 7 : i32
        %mul3A_311 = arith.constant 16 : i32
        %mul3A_312 = arith.muli %scan3A_301, %mul3A_311 : i32
        %swap3A = arith.index_cast %mul3A_312 : i32 to index
        %swap3A_313 = tpu.vector_load %arg13[%swap3A] {strides = array<i32>} : memref<256xf32, #tpu.memory_space<vmem>>, vector<16xf32>,
        tpu.vector_store %arg13[%swap3A], %scan3A_309 {strides = array<i32>} : memref<256xf32, #tpu.memory_space<vmem>>, vector<16xf32>,
      }
      %scan3A_300 = arith.constant 16 : i32
      "tpu.region"() ({
        %run_scoped3A = tpu.sem_alloc : memref<!tpu.dma_semaphore, #tpu.memory_space<semaphore_mem>>
        %dma_start3A = arith.constant 0 : i32
        %dma_start3A_301 = tpu.memref_slice %arg13[%dma_start3A] : memref<256xf32, #tpu.memory_space<vmem>> -> memref<256xf32, #tpu.memory_space<vmem>>
        %dma_start3A_302 = arith.constant 0 : i32
        %dma_start3A_303 = tpu.memref_slice %arg5[%select_n3A, %dma_start3A_302] : memref<4x256xf32, #tpu.memory_space<hbm>> -> memref<1x256xf32, #tpu.memory_space<hbm>>
        %dma_start3A_304 = tpu.memref_squeeze %dma_start3A_303 : memref<1x256xf32, #tpu.memory_space<hbm>> -> memref<256xf32, #tpu.memory_space<hbm>>
        %dma_start3A_305 = arith.constant 0 : i32
        %dma_start3A_306 = tpu.memref_slice %arg5[%select_n3A, %dma_start3A_305] : memref<4x256xf32, #tpu.memory_space<hbm>> -> memref<1x256xf32, #tpu.memory_space<hbm>>
        %dma_start3A_307 = tpu.memref_squeeze %dma_start3A_306 : memref<1x256xf32, #tpu.memory_space<hbm>> -> memref<256xf32, #tpu.memory_space<hbm>>
        %dma_start3A_308 = arith.constant 0 : i32
        %dma_start3A_309 = tpu.memref_slice %arg13[%dma_start3A_308] : memref<256xf32, #tpu.memory_space<vmem>> -> memref<256xf32, #tpu.memory_space<vmem>>
        tpu.enqueue_dma source(%dma_start3A_309 : memref<256xf32, #tpu.memory_space<vmem>>) target(%dma_start3A_307 : memref<256xf32, #tpu.memory_space<hbm>>) target_semaphore(%run_scoped3A : memref<!tpu.dma_semaphore, #tpu.memory_space<semaphore_mem>>)
        %dma_wait3A = arith.constant 0 : i32
        %dma_wait3A_310 = tpu.memref_slice %arg13[%dma_wait3A] : memref<256xf32, #tpu.memory_space<vmem>> -> memref<256xf32, #tpu.memory_space<vmem>>
        %dma_wait3A_311 = arith.constant 0 : i32
        %dma_wait3A_312 = tpu.memref_slice %arg5[%select_n3A, %dma_wait3A_311] : memref<4x256xf32, #tpu.memory_space<hbm>> -> memref<1x256xf32, #tpu.memory_space<hbm>>
        %dma_wait3A_313 = tpu.memref_squeeze %dma_wait3A_312 : memref<1x256xf32, #tpu.memory_space<hbm>> -> memref<256xf32, #tpu.memory_space<hbm>>
        %dma_wait3A_314 = arith.constant 0 : i32
        %dma_wait3A_315 = tpu.memref_slice %arg5[%select_n3A, %dma_wait3A_314] : memref<4x256xf32, #tpu.memory_space<hbm>> -> memref<1x256xf32, #tpu.memory_space<hbm>>
        %dma_wait3A_316 = tpu.memref_squeeze %dma_wait3A_315 : memref<1x256xf32, #tpu.memory_space<hbm>> -> memref<256xf32, #tpu.memory_space<hbm>>
        %dma_wait3A_317 = arith.constant 0 : i32
        %dma_wait3A_318 = tpu.memref_slice %arg13[%dma_wait3A_317] : memref<256xf32, #tpu.memory_space<vmem>> -> memref<256xf32, #tpu.memory_space<vmem>>
        tpu.wait_dma2 semaphore(%run_scoped3A : memref<!tpu.dma_semaphore, #tpu.memory_space<semaphore_mem>>) src(%dma_wait3A_318 : memref<256xf32, #tpu.memory_space<vmem>>) dst(%dma_wait3A_316 : memref<256xf32, #tpu.memory_space<hbm>>)
        tpu.yield
      }) : () -> ()
    } else {
    }
    return
  }
}

</mosaic_0001>

<sc_bundles>
// kernel: _cluster_stats.4.cloned.1.call-start
scs
__scs_entry_jumppad:
0x0: {  	(pc) =	sbr.rel $0x88, $3  }
0x1: {  	(tag) =	ssettag $0x0;
	lr =	simm.s32 $0x1  }
0x2: {  	[smem:$0x3F9E] =	sst lr;
	_ =	strace $0xD0000000  }
0x3: {  	_ = 	snop  }
0x4: {  	_ = 	snop  }
0x5: {  	_ = 	snop  }
0x6: {  	_ = 	snop  }
0x7: {  	_ = 	snop  }
__scs_overlays_trampoline_lowered:
0x8: {  	[smem:$0x3FAD] =	sst s0  }
0x9: {  	[smem:$0x3FAE] =	sst s1  }
0xa: {  	[smem:$0x3FAF] =	sst s2  }
0xb: {  	[smem:$0x3FB0] =	sst s3  }
0xc: {  	[smem:$0x3FB1] =	sst s4  }
0xd: {  	[smem:$0x3FB2] =	sst s5  }
0xe: {  	[smem:$0x3FB3] =	sst s6  }
0xf: {  	[smem:$0x3FB4] =	sst s7  }
0x10: {  	[smem:$0x3FB5] =	sst s8  }
0x11: {  	[smem:$0x3FB6] =	sst s9;
	s0 =	simm.s32 @!p0 $0x0  }
0x12: {  	s1 =	sld [smem:$0x3F9C];
	s0 =	simm.s32 @p0 $0x1  }
0x13: {  	[smem:$0x3FB7] =	sst s0;
	s0 =	simm.s32 @!p1 $0x0  }
0x14: {  	s2 =	sld [smem:$0x3F9B];
	s0 =	simm.s32 @p1 $0x1  }
0x15: {  	[smem:$0x3FB8] =	sst s0;
	s0 =	simm.s32 @!p2 $0x0  }
0x16: {  	s3 =	sld [smem:$0x3FDB];
	s0 =	simm.s32 @p2 $0x1  }
0x17: {  	s4 =	simm.s32 $0x1BF5;
	[smem:$0x3FBA] =	sst s0  }
0x18: {  	s0 =	sld [smem:$0x3F9D];
	_ =	swait.ge [sflag:s4], $0x0  }
0x19: {  	s7 =	sld [smem:$0x3F9E]  }
0x1a: {  	s8 =	sadd.s32 $0xFFFFE003, lr  }
0x1b: {  	s9 =	sadd.s32 $0xFFFFFEF7, lr;
	s5 =	simm.s32 $0xFFFFFFFF;
	p2 =	slt.u32 s8, $0xFFFFF086  }
0x1c: {  	p1 =	slt.u32 s9, $0xF7A;
	s5 =	simm.s32 @!p2 $0x0  }
0x1d: {  	s5 =	simm.s32 @p1 $0x1;
	p0 =	seq.s32 s7, s2  }
0x1e: {  	s7 =	smul.u32 @!p0 $0xF7A, s2;
	p2 =	seq.s32 @!p0 s5, $0x0  }
0x1f: {  	s9 =	smul.u32 $0xF7A, s1;
	s8 =	simm.s32 @!p0 $0x1BF5;
	p2 =	por !p2, p0  }
0x20: {  	[sflag:s8] =	ssyncset.s32 @!p0 $0xFFFFF086;
	s6 =	sadd.s32 @!p0 s3, s7;
	s7 =	simm.s32 @!p0 $0x108  }
0x21: {  	s3 =	sadd.s32 s3, s9;
	s6 =	sadd.s32 @!p0 $0x88, s6;
	s7 =	simm.s32 @p2 $0x1082  }
0x22: {  	[simem:s7], [sflag:s8] =	dma.local @!p0 [hbm:s6], $0xF7A  }
0x23: {  	s9 =	sor.u32 $0xD0000000, s2;
	s6 =	simm.s32 $0x108;
	_ =	swait.ge @!p0 [sflag:s8], $0x0  }
0x24: {  	s3 =	sadd.s32 $0x88, s3;
	s6 =	simm.s32 @!p1 $0x1082;
	[sflag:s4] =	ssyncset.s32 $0xFFFFF086  }
0x25: {  	[simem:s6], [sflag:s4] =	dma.local [hbm:s3], $0xF7A  }
0x26: {  	[smem:$0x3F9E] =	sst s1;
	(tag) =	ssettag s2;
	_ =	strace s9  }
0x27: {  	s1 =	sld [smem:$0x3FAE]  }
0x28: {  	s2 =	sld [smem:$0x3FAF]  }
0x29: {  	s4 =	sld [smem:$0x3FB1]  }
0x2a: {  	p0 =	seq.s32 s5, $0x0;
	s5 =	sld [smem:$0x3FB2]  }
0x2b: {  	s6 =	sld [smem:$0x3FB3]  }
0x2c: {  	s7 =	sld [smem:$0x3FB4]  }
0x2d: {  	s3 =	simm.s32 $0x108;
	s8 =	sld [smem:$0x3FB5]  }
0x2e: {  	s3 =	simm.s32 @!p0 $0x1082;
	s9 =	sld [smem:$0x3FB6]  }
0x2f: {  	lr =	sadd.s32 s0, s3;
	s0 =	sld [smem:$0x3FAD]  }
0x30: {  	s3 =	sld [smem:$0x3FB0]  }
0x31: {  	[smem:$0x3FB9] =	sst s10  }
0x32: {  	s10 =	sld [smem:$0x3FB7];
	_ =	sdelay $0x3  }
0x33: {  	p0 =	seq.s32 s10, $0x1;
	s10 =	sld [smem:$0x3FB9];
	_ =	sdelay $0x3  }
0x34: {  	[smem:$0x3FB9] =	sst s10  }
0x35: {  	s10 =	sld [smem:$0x3FB8];
	_ =	sdelay $0x3  }
0x36: {  	p1 =	seq.s32 s10, $0x1;
	s10 =	sld [smem:$0x3FB9];
	_ =	sdelay $0x3  }
0x37: {  	[smem:$0x3FB9] =	sst s10  }
0x38: {  	s10 =	sld [smem:$0x3FBA]  }
0x39: {  	_ = 	snop;
	(pc) =	sbr.ind lr, $3  }
0x3a: {  	_ = 	snop  }
0x3b: {  	_ = 	snop  }
0x3c: {  	p2 =	seq.s32 s10, $0x1;
	s10 =	sld [smem:$0x3FB9]  }
0x3d: {  	_ =	shalt  }
0x3e: {  	_ =	shalt  }
0x3f: {  	_ =	shalt  }
0x40: {  	_ =	shalt  }
0x41: {  	_ =	shalt  }
0x42: {  	_ =	shalt  }
0x43: {  	_ =	shalt  }
0x44: {  	_ =	shalt  }
0x45: {  	_ =	shalt  }
0x46: {  	_ =	shalt  }
0x47: {  	_ =	shalt  }
0x48: {  	_ =	shalt  }
0x49: {  	_ =	shalt  }
0x4a: {  	_ =	shalt  }
0x4b: {  	_ =	shalt  }
0x4c: {  	_ =	shalt  }
0x4d: {  	_ =	shalt  }
0x4e: {  	_ =	shalt  }
0x4f: {  	_ =	shalt  }
0x50: {  	_ =	shalt  }
0x51: {  	_ =	shalt  }
0x52: {  	_ =	shalt  }
0x53: {  	_ =	shalt  }
0x54: {  	_ =	shalt  }
0x55: {  	_ =	shalt  }
0x56: {  	_ =	shalt  }
0x57: {  	_ =	shalt  }
0x58: {  	_ =	shalt  }
0x59: {  	_ =	shalt  }
0x5a: {  	_ =	shalt  }
0x5b: {  	_ =	shalt  }
0x5c: {  	_ =	shalt  }
0x5d: {  	_ =	shalt  }
0x5e: {  	_ =	shalt  }
0x5f: {  	_ =	shalt  }
0x60: {  	_ =	shalt  }
0x61: {  	_ =	shalt  }
0x62: {  	_ =	shalt  }
0x63: {  	_ =	shalt  }
0x64: {  	_ =	shalt  }
0x65: {  	_ =	shalt  }
0x66: {  	_ =	shalt  }
0x67: {  	_ =	shalt  }
0x68: {  	_ =	shalt  }
0x69: {  	_ =	shalt  }
0x6a: {  	_ =	shalt  }
0x6b: {  	_ =	shalt  }
0x6c: {  	_ =	shalt  }
0x6d: {  	_ =	shalt  }
0x6e: {  	_ =	shalt  }
0x6f: {  	_ =	shalt  }
0x70: {  	_ =	shalt  }
0x71: {  	_ =	shalt  }
0x72: {  	_ =	shalt  }
0x73: {  	_ =	shalt  }
0x74: {  	_ =	shalt  }
0x75: {  	_ =	shalt  }
0x76: {  	_ =	shalt  }
0x77: {  	_ =	shalt  }
0x78: {  	_ =	shalt  }
0x79: {  	_ =	shalt  }
0x7a: {  	_ =	shalt  }
0x7b: {  	_ =	shalt  }
0x7c: {  	_ =	shalt  }
0x7d: {  	_ =	shalt  }
0x7e: {  	_ =	shalt  }
0x7f: {  	_ =	shalt  }
0x80: {  	_ =	shalt  }
0x81: {  	_ =	shalt  }
0x82: {  	_ =	shalt  }
0x83: {  	_ =	shalt  }
0x84: {  	_ =	shalt  }
0x85: {  	_ =	shalt  }
0x86: {  	_ =	shalt  }
0x87: {  	_ =	shalt  }
.Lfunc_end0:
.L_simem_size_0:
called_computation_lowered:
.L_overlay_start_0:
0x88: {  	s2 =	sld [smem:$0x3FD9]  }
0x89: {  	s3 =	sld [smem:$0x3FFE];
	_ =	sdelay $0x1  }
0x8a: {  	s1 =	srdreg.scid  }
0x8b: {  	s0 =	sand.u32 $0x1, s1  }
0x8c: {  	s15 =	sshll.u32 s0, $0xA;
	s2 =	sadd.s32 s3, s2  }
0x8d: {  	s2 =	sadd.s32 s2, s15  }
0x8e: {  	[smem:$0x3FC5] =	sst s2  }
0x8f: {  	_ = 	snop  }
0x90: {  	s2 =	sld [smem:$0x3FD0];
	_ =	sdelay $0x2  }
0x91: {  	s4 =	simm.s32 $0xB;
	s5 =	simm.s32 $0x10;
	s16 =	sld [smem:$0x3FC9]  }
0x92: {  	[smem:s5], [sflag:s4] =	dma.local [hbm:s2], $0x1  }
0x93: {  	_ =	swait.eq [sflag:s4], $0x1  }
0x94: {  	[sflag:s4] =	ssyncset.done $0x0  }
0x95: {  	[sflag:s4] =	ssyncadd.s32 $0xFFFFFFFF  }
0x96: {  	s17 =	sld [smem:$0x10];
	(tm) =	ssettm $0x1  }
0x97: {  	s18 =	sld [smem:$0x3FFB];
	_ =	sdelay $0x3  }
0x98: {  	_ =	strace s18  }
0x99: {  	s4 =	sld [smem:$0x3FFC];
	_ =	sdelay $0x3  }
0x9a: {  	_ =	strace s4  }
0x9b: {  	s4 =	sld [smem:$0x3FFD];
	_ =	sdelay $0x3  }
0x9c: {  	_ =	strace s4  }
0x9d: {  	_ =	strace $0x8FFFFFFF  }
0x9e: {  	s19 =	sld [smem:$0x3FDB];
	_ =	sdelay $0x1  }
0x9f: {  	s20 =	simm.s32 $_scs_section_size  }
0xa0: {  	s6 =	simm.s32 $_size__tile_overlayer_lowered;
	s7 =	simm.s32 $_tile_overlayer_lowered  }
0xa1: {  	s23 =	simm.s32 $0x1BFF;
	s22 =	sshll.u32 s7, $0x1;
	s4 =	sadd.s32 s20, s19  }
0xa2: {  	s8 =	simm.s32 $0x0;
	s21 =	sshll.u32 s6, $0x1;
	s6 =	sadd.s32 s22, s4  }
0xa3: {  	[timem:s8], [sflag:s23] =	dma.local [hbm:s6], s21  }
0xa4: {  	_ =	swait.ge [sflag:s23], s21  }
0xa5: {  	s5 =	ssub.s32 $0x0, s21;
	[sflag:s23] =	ssyncset.done $0x0  }
0xa6: {  	[sflag:s23] =	ssyncadd.s32 s5;
	_ =	sdelay $0x1  }
0xa7: {  	s24 =	simm.s32 $0x1B8B  }
0xa8: {  	_ =	swait.ge [sflag:s24], $0x1  }
0xa9: {  	[sflag:s24] =	ssyncset.done $0x0  }
0xaa: {  	s25 =	simm.s32 $0x1B8E;
	[sflag:s24] =	ssyncadd.s32 $0xFFFFFFFF  }
0xab: {  	s26 =	simm.s32 $execute0_lowered;
	[smem:$0x3FD2] =	sst s25  }
0xac: {  	s5 =	sshll.u32 s26, $0x1;
	_ =	strace $0x80000046;
	[dreg:$0x1] =	wrdreg $0xFFFFFFFF  }
0xad: {  	s28 =	simm.s32 $_size_execute0_lowered;
	s4 =	sadd.s32 s4, s5;
	[dreg:$0x0] =	wrdreg $0x0  }
0xae: {  	s5 =	sshll.u32 s28, $0x1;
	[dreg:$0x2] =	wrdreg s4  }
0xaf: {  	[dreg:$0x3] =	wrdreg s5  }
0xb0: {  	[dreg:$0x4] =	wrdreg $0xC0  }
0xb1: {  	_ =	task [dreg:s8], $0x5FFFF  }
0xb2: {  	[dreg:$0x1] =	wrdreg $0xFFFFFFFF  }
0xb3: {  	[dreg:$0x0] =	wrdreg $0x60  }
0xb4: {  	[dreg:$0x2] =	wrdreg s16  }
0xb5: {  	[dreg:$0x3] =	wrdreg s17  }
0xb6: {  	[dreg:$0x4] =	wrdreg $0x28800  }
0xb7: {  	[dreg:$0x5] =	wrdreg $0x9  }
0xb8: {  	_ =	task.clear_ibuf [dreg:s8], $0x6FFFF;
	_ =	strace $0x90000046  }
0xb9: {  	s29 =	simm.s32 $0x9;
	_ =	strace $0x80000048  }
0xba: {  	_ =	swait.ge [sflag:s29], $0x1  }
0xbb: {  	[sflag:s29] =	ssyncadd.s32 $0xFFFFFFFF  }
0xbc: {  	_ =	strace $0x90000048  }
0xbd: {  	_ =	sfence  }
0xbe: {  	s30 =	sld [smem:$0x0];
	_ =	sdelay $0x2  }
0xbf: {  	s31 =	sshll.u32 s1, $0xD;
	s1 =	sshrl.u32 s1, $0x2  }
0xc0: {  	s3 =	sand.u32 $0x4000, s31;
	s1 =	sadd.s32 s1, s30  }
0xc1: {  	s0 =	sor.u32 s3, s0;
	s1 =	sshll.u32 s1, $0x11  }
0xc2: {  	s0 =	sor.u32 s1, s0  }
0xc3: {  	s0 =	sadd.s32 $0x8F2B, s0  }
0xc4: {  	[sflag:s0] =	ssyncadd.remote.s32 $0x1  }
0xc5: {  	_ =	sfence.sel $0xFFFF  }
0xc6: {  	[dreg:$0x0] =	wrdreg $0xFFFFFFFF;
	(pc) =	sbr.abs _section_cstart, $3  }
0xc7: {  	[dreg:$0x1] =	wrdreg $0xFFFFFFFF  }
0xc8: {  	_ =	task.clear_ibuf [dreg:s8], $0x2FFFF;
	_ =	strace $0x9FFFFFFF  }
0xc9: {  	(tm) =	ssettm $0x7FFFFFFF  }
tec
execute0_lowered:
.L_overlay_start_1:
0x0: {  	(tag) =	ssettag $0x1  }
0x1: {  	s4 =	rddreg [dreg:$0x0]  }
0x2: {  	s0 =	srdreg.scid;
	s7 =	rddreg [dreg:$0x1]  }
0x3: {  	s8 =	rddreg [dreg:$0x2];
	s9 =	simm.s32 $0x1;
	s3 =	sand.u32 $0x1, s0  }
0x4: {  	s2 =	simm.s32 $0x0;
	s0 =	stileid.u32;
	s1 =	sshll.u32 s3, $0x4  }
0x5: {  	s12 =	simm.s32 $0x2480;
	s6 =	sand.u32 $0x7, s0;
	s5 =	sor.u32 s0, s1  }
0x6: {  	s13 =	simm.s32 $0x0;
	p0 =	sne.s32 s6, $0x0;
	p1 =	seq.s32 s5, $0x0  }
0x7: {  	[smem:$0x7FF] =	sst s2;
	s3 =	ssub.s32 $0x2, s3;
	p1 =	por !p0, !p1  }
0x8: {  	s31 =	sshll.u32 s0, $0x7;
	s1 =	rddreg [dreg:$0x3];
	p1 =	por !p1, !p1  }
0x9: {  	_ =	strace $0x80000047;
	s5 =	sshrl.u32 s5, $0x3;
	s9 =	simm.s32 @!p1 $0x0  }
0xa: {  	s6 =	sshll.u32 s6, $0xF;
	s11 =	sshrl.u32 s3, $0x1;
	s5 =	ssub.s32 s5, s9  }
0xb: {  	v0 =	vlaneseq.u32;
	s30 =	ssub.s32 s3, s11;
	s9 =	sshrl.u32 s5, $0x2;
	s5 =	sshll.u32 s5, $0x7  }
0xc: {  	v1 =	vmul.u32 $0x2, v0;
	s3 =	simm.s32 $0x1;
	s10 =	sshll.u32 s9, $0x12;
	s5 =	sand.u32 $0x180, s5  }
.Ltmp0:
0xd: {  	v2 =	vmul.u32 $0x10, v0;
	s9 =	sshll.u32 s9, $0x9;
	s6 =	sor.u32 s6, s10;
	(pc) =	sbr.rel .LBB2_1-.Ltmp0, $4  }
0xe: {  	v3 =	vimm.f32 $0.0e+00;
	v4 =	vimm.f32 $1.000000000e+00;
	v5 =	vor.u32 $0x1, v1;
	s11 =	simm.s32 $0x2400;
	s6 =	sor.u32 s5, s6;
	s5 =	sor.u32 s5, s9  }
0xf: {  	v6 =	vor.u32 $0x100, v2;
	v7 =	vor.u32 $0x20, v1;
	v8 =	vor.u32 $0x21, v1;
	s10 =	simm.s32 $0x2000;
	s6 =	sshrl.u32 s6, $0x3;
	s9 =	sshrl.u32 s5, $0x3  }
0x10: {  	v9 =	vor.u32 $0x200, v2;
	v10 =	vor.u32 $0x40, v1;
	v11 =	vor.u32 $0x41, v1;
	s5 =	sadd.s32 s31, s8;
	s8 =	simm.s32 $0x80;
	s4 =	sadd.s32 s4, s6  }
0x11: {  	v12 =	vor.u32 $0x300, v2;
	v13 =	vor.u32 $0x60, v1;
	v14 =	vor.u32 $0x61, v1;
	s6 =	sadd.s32 s7, s9;
	s7 =	smax.u32 s30, $0x1;
	s9 =	simm.s32 $0x200  }
.LBB2_15:
0x12: {  	s13 =	sadd.s32 $0x1, s13  }
0x13: {  	p1 =	sne.s32 s13, s7  }
.Ltmp1:
0x14: {  	_ = 	snop;
	(pc) =	sbr.rel @!p1 .LBB2_16-.Ltmp1, $1  }
0x15: {  	_ =	sdelay $0x3  }
.LBB2_1:
0x16: {  	[tilespmem:s2], [sflag:$0x1] =	stream.strided.gather [hbm4b:s4+s8], $0x2000, s9, s8, $0x38;
	[tilespmem:$0x2900] =	vst v63  }
0x17: {  	_ =	swait.ge [sflag:s3], $0x2000  }
0x18: {  	[sflag:s3] =	ssyncset.done $0x0  }
0x19: {  	s14 =	simm.s32 $0x2020;
	[sflag:s3] =	ssyncadd.s32 $0xFFFFE000  }
0x1a: {  	[tilespmem:s14+$0xFFFFFFE0] =	vst v3  }
0x1b: {  	[tilespmem:s14+$0x10] =	vst v3  }
0x1c: {  	s16 =	simm.s32 $0x0;
	[tilespmem:s14+$0x0] =	vst v3  }
.LBB2_2:
0x1d: {  	s16 =	sadd.s32 $0x4, s16  }
0x1e: {  	[tilespmem:s14+$0xFFFFFFF0] =	vst v3;
	s14 =	sadd.s32 $0x40, s14;
	s15 =	simm.s32 $0x20;
	p1 =	slt.u32 s16, $0x3C  }
.Ltmp2:
0x1f: {  	[tilespmem:s14+$0xFFFFFFE0] =	vst v3;
	(pc) =	sbr.rel @p1 .LBB2_2-.Ltmp2, $3  }
0x20: {  	_ =	sdelay $0x1  }
0x21: {  	[tilespmem:s14+$0x10] =	vst v3  }
0x22: {  	[tilespmem:s14+$0x0] =	vst v3  }
0x23: {  	[tilespmem:s14+$0xFFFFFFF0] =	vst v3  }
0x24: {  	v15 =	vld [tilespmem:s15+$0x10]  }
0x25: {  	v16 =	vld [tilespmem:s15+$0xFFFFFFF0]  }
0x26: {  	v18 =	vld [tilespmem:s15+$0x0];
	_ =	sdelay $0x1  }
0x27: {  	v17 =	vld [tilespmem:s15+$0xFFFFFFE0]  }
0x28: {  	v15 =	vshll.u32 v15, $0x4  }
0x29: {  	v19 =	vshll.u32 v16, $0x4;
	v16 =	vor.u32 v0, v15  }
0x2a: {  	s14 =	simm.s32 $0x0;
	s15 =	simm.s32 $0x60;
	v18 =	vshll.u32 v18, $0x4;
	v15 =	vor.u32 v0, v19  }
.LBB2_4:
0x2b: {  	v19 =	vld [tilespmem:s15+$0x10];
	s14 =	sadd.s32 $0x4, s14;
	v18 =	vor.u32 v0, v18  }
0x2c: {  	v20 =	vld [tilespmem:s15+$0xFFFFFFF0];
	p1 =	slt.u32 s14, $0x1FC;
	v17 =	vshll.u32 v17, $0x4  }
0x2d: {  	v21 =	vld [tilespmem:s15+$0x0];
	v22 =	vor.u32 v0, v17  }
.Ltmp3:
0x2e: {  	[tilespmem:v16+s10+$0x0] =	vst.idx.add.f32.msk $0xffff, v4;
	(pc) =	sbr.rel @p1 .LBB2_4-.Ltmp3, $4  }
0x2f: {  	v17 =	vld [tilespmem:s15+$0xFFFFFFE0]  }
0x30: {  	v16 =	vshll.u32 v19, $0x4;
	[tilespmem:v15+s10+$0x0] =	vst.idx.add.f32.msk $0xffff, v4  }
0x31: {  	v15 =	vshll.u32 v20, $0x4;
	v16 =	vor.u32 v0, v16;
	[tilespmem:v18+s10+$0x0] =	vst.idx.add.f32.msk $0xffff, v4  }
0x32: {  	s15 =	sadd.s32 $0x40, s15;
	v15 =	vor.u32 v0, v15;
	v18 =	vshll.u32 v21, $0x4;
	[tilespmem:v22+s10+$0x0] =	vst.idx.add.f32.msk $0xffff, v4  }
0x33: {  	_ = 	snop  }
0x34: {  	v18 =	vor.u32 v0, v18;
	v17 =	vshll.u32 v17, $0x4  }
0x35: {  	v17 =	vor.u32 v0, v17  }
0x36: {  	s14 =	simm.s32 $0x1  }
0x37: {  	[tilespmem:v16+s10+$0x0] =	vst.idx.add.f32.msk $0xffff, v4;
	v16 =	vor.u32 s14, v2  }
0x38: {  	[tilespmem:v15+s10+$0x0] =	vst.idx.add.f32.msk $0xffff, v4  }
0x39: {  	[tilespmem:v18+s10+$0x0] =	vst.idx.add.f32.msk $0xffff, v4  }
0x3a: {  	[tilespmem:v17+s10+$0x0] =	vst.idx.add.f32.msk $0xffff, v4  }
0x3b: {  	v15 =	vld.idx.msk [tilespmem:v2+s10+$0x0], $0xffff  }
0x3c: {  	s14 =	simm.s32 $0x2;
	v16 =	vld.idx.msk [tilespmem:v16+s10+$0x0], $0xffff  }
.LBB2_6:
0x3d: {  	v17 =	vor.u32 s14, v2;
	p1 =	sne.s32 s14, $0xF;
	s14 =	sadd.s32 $0x1, s14  }
.Ltmp4:
0x3e: {  	(pc) =	sbr.rel @p1 .LBB2_6-.Ltmp4, $2  }
0x3f: {  	_ =	sdelay $0x2  }
0x40: {  	v15 =	vadd.f32 v16, v15;
	v16 =	vld.idx.msk [tilespmem:v17+s10+$0x0], $0xffff  }
0x41: {  	_ =	sdelay $0x2  }
0x42: {  	s14 =	simm.s32 $0x101  }
0x43: {  	v15 =	vadd.f32 v16, v15;
	v16 =	vor.u32 s14, v2;
	_ =	sdelay $0x1  }
0x44: {  	[tilespmem:v1+s11+$0x0] =	vst.idx.msk $0xffff, v15  }
0x45: {  	[tilespmem:v5+s11+$0x0] =	vst.idx.msk $0xffff, v15  }
0x46: {  	v15 =	vld.idx.msk [tilespmem:v6+s10+$0x0], $0xffff  }
0x47: {  	s14 =	simm.s32 $0x102;
	v16 =	vld.idx.msk [tilespmem:v16+s10+$0x0], $0xffff  }
.LBB2_8:
0x48: {  	v17 =	vor.u32 s14, v2;
	p1 =	sne.s32 s14, $0x10F;
	s14 =	sadd.s32 $0x1, s14  }
.Ltmp5:
0x49: {  	(pc) =	sbr.rel @p1 .LBB2_8-.Ltmp5, $2  }
0x4a: {  	_ =	sdelay $0x2  }
0x4b: {  	v15 =	vadd.f32 v16, v15;
	v16 =	vld.idx.msk [tilespmem:v17+s10+$0x0], $0xffff  }
0x4c: {  	_ =	sdelay $0x2  }
0x4d: {  	s14 =	simm.s32 $0x201  }
0x4e: {  	v15 =	vadd.f32 v16, v15;
	v16 =	vor.u32 s14, v2;
	_ =	sdelay $0x1  }
0x4f: {  	[tilespmem:v7+s11+$0x0] =	vst.idx.msk $0xffff, v15  }
0x50: {  	[tilespmem:v8+s11+$0x0] =	vst.idx.msk $0xffff, v15  }
0x51: {  	v15 =	vld.idx.msk [tilespmem:v9+s10+$0x0], $0xffff  }
0x52: {  	s14 =	simm.s32 $0x202;
	v16 =	vld.idx.msk [tilespmem:v16+s10+$0x0], $0xffff  }
.LBB2_10:
0x53: {  	v17 =	vor.u32 s14, v2;
	p1 =	sne.s32 s14, $0x20F;
	s14 =	sadd.s32 $0x1, s14  }
.Ltmp6:
0x54: {  	(pc) =	sbr.rel @p1 .LBB2_10-.Ltmp6, $2  }
0x55: {  	_ =	sdelay $0x2  }
0x56: {  	v15 =	vadd.f32 v16, v15;
	v16 =	vld.idx.msk [tilespmem:v17+s10+$0x0], $0xffff  }
0x57: {  	_ =	sdelay $0x2  }
0x58: {  	s14 =	simm.s32 $0x301  }
0x59: {  	v15 =	vadd.f32 v16, v15;
	v16 =	vor.u32 s14, v2;
	_ =	sdelay $0x1  }
0x5a: {  	[tilespmem:v10+s11+$0x0] =	vst.idx.msk $0xffff, v15  }
0x5b: {  	[tilespmem:v11+s11+$0x0] =	vst.idx.msk $0xffff, v15  }
0x5c: {  	v15 =	vld.idx.msk [tilespmem:v12+s10+$0x0], $0xffff  }
0x5d: {  	s14 =	simm.s32 $0x302;
	v16 =	vld.idx.msk [tilespmem:v16+s10+$0x0], $0xffff  }
.LBB2_12:
0x5e: {  	v17 =	vor.u32 s14, v2;
	p1 =	sne.s32 s14, $0x30F;
	s14 =	sadd.s32 $0x1, s14  }
.Ltmp7:
0x5f: {  	(pc) =	sbr.rel @p1 .LBB2_12-.Ltmp7, $2  }
0x60: {  	_ =	sdelay $0x2  }
0x61: {  	v15 =	vadd.f32 v16, v15;
	v16 =	vld.idx.msk [tilespmem:v17+s10+$0x0], $0xffff  }
0x62: {  	_ =	sdelay $0x3  }
0x63: {  	v15 =	vadd.f32 v16, v15;
	_ =	sdelay $0x1  }
0x64: {  	[tilespmem:v13+s11+$0x0] =	vst.idx.msk $0xffff, v15  }
0x65: {  	[tilespmem:v14+s11+$0x0] =	vst.idx.msk $0xffff, v15  }
0x66: {  	[spmem:s5] =	stream.linear.scatter [tilespmem:s11], [sflag:$0x1], $0x80, $0x38;
	[tilespmem:$0x2900] =	vst v63  }
.Ltmp8:
0x67: {  	_ =	swait.ge [sflag:s3], $0x80;
	(pc) =	sbr.rel @p0 .LBB2_15-.Ltmp8, $3  }
0x68: {  	[sflag:s3] =	ssyncset.done $0x0  }
0x69: {  	[sflag:s3] =	ssyncadd.s32 $0xFFFFFF80  }
0x6a: {  	[bflag:$0x0] =	sbarrier.arrive $0xFFFF;
	_ =	sdelay $0x1  }
0x6b: {  	[tilespmem:s12], [sflag:$0x1] =	stream.linear.gather [spmem:s5], $0x400, $0x38;
	[tilespmem:$0x2900] =	vst v63  }
0x6c: {  	_ =	swait.ge [sflag:s3], $0x400  }
0x6d: {  	[sflag:s3] =	ssyncset.done $0x0  }
0x6e: {  	[sflag:s3] =	ssyncadd.s32 $0xFFFFFC00  }
0x6f: {  	v15 =	vld [tilespmem:$0x2480]  }
0x70: {  	v16 =	vld [tilespmem:$0x2500]  }
0x71: {  	v17 =	vld [tilespmem:$0x2580]  }
0x72: {  	v18 =	vld [tilespmem:$0x2600]  }
0x73: {  	v19 =	vld [tilespmem:$0x2680]  }
0x74: {  	v20 =	vld [tilespmem:$0x2700]  }
0x75: {  	v21 =	vld [tilespmem:$0x2780]  }
0x76: {  	v22 =	vld [tilespmem:$0x2800]  }
0x77: {  	v23 =	vld [tilespmem:$0x2490]  }
0x78: {  	v24 =	vld [tilespmem:$0x2510]  }
0x79: {  	v25 =	vld [tilespmem:$0x2590]  }
0x7a: {  	v26 =	vld [tilespmem:$0x2610]  }
0x7b: {  	v27 =	vld [tilespmem:$0x2690]  }
0x7c: {  	v28 =	vld [tilespmem:$0x2710]  }
0x7d: {  	v29 =	vld [tilespmem:$0x2790]  }
0x7e: {  	v30 =	vld [tilespmem:$0x2810]  }
0x7f: {  	v31 =	vld [tilespmem:$0x24A0]  }
0x80: {  	v32 =	vld [tilespmem:$0x2520]  }
0x81: {  	v33 =	vld [tilespmem:$0x25A0]  }
0x82: {  	v34 =	vld [tilespmem:$0x2620]  }
0x83: {  	v35 =	vld [tilespmem:$0x26A0]  }
0x84: {  	v36 =	vld [tilespmem:$0x2720]  }
0x85: {  	v37 =	vld [tilespmem:$0x27A0]  }
0x86: {  	v38 =	vld [tilespmem:$0x2820]  }
0x87: {  	v39 =	vld [tilespmem:$0x24B0]  }
0x88: {  	v40 =	vld [tilespmem:$0x2530]  }
0x89: {  	v41 =	vld [tilespmem:$0x25B0]  }
0x8a: {  	v42 =	vld [tilespmem:$0x2630]  }
0x8b: {  	v43 =	vld [tilespmem:$0x26B0]  }
0x8c: {  	v44 =	vld [tilespmem:$0x2730]  }
0x8d: {  	v45 =	vld [tilespmem:$0x27B0]  }
0x8e: {  	v46 =	vld [tilespmem:$0x2830]  }
0x8f: {  	v47 =	vld [tilespmem:$0x24C0]  }
0x90: {  	v48 =	vld [tilespmem:$0x2540]  }
0x91: {  	v49 =	vld [tilespmem:$0x25C0]  }
0x92: {  	v50 =	vld [tilespmem:$0x2640]  }
0x93: {  	v51 =	vld [tilespmem:$0x26C0]  }
0x94: {  	v52 =	vld [tilespmem:$0x2740]  }
0x95: {  	v53 =	vld [tilespmem:$0x27C0]  }
0x96: {  	v55 =	vld [tilespmem:$0x2550]  }
0x97: {  	v57 =	vld [tilespmem:$0x25D0];
	v15 =	vadd.f32 v16, v15;
	v23 =	vadd.f32 v24, v23  }
0x98: {  	v24 =	vld [tilespmem:$0x24D0];
	v54 =	vadd.f32 v32, v31;
	v56 =	vadd.f32 v40, v39  }
0x99: {  	v58 =	vld [tilespmem:$0x2650];
	v15 =	vadd.f32 v17, v15;
	v23 =	vadd.f32 v25, v23  }
0x9a: {  	v59 =	vld [tilespmem:$0x26D0];
	v17 =	vadd.f32 v33, v54;
	v25 =	vadd.f32 v41, v56  }
0x9b: {  	v60 =	vld [tilespmem:$0x2750];
	v15 =	vadd.f32 v18, v15;
	v23 =	vadd.f32 v26, v23  }
0x9c: {  	v61 =	vld [tilespmem:$0x27D0];
	v17 =	vadd.f32 v34, v17;
	v25 =	vadd.f32 v42, v25  }
0x9d: {  	v62 =	vld [tilespmem:$0x2850];
	v24 =	vadd.f32 v55, v24;
	v15 =	vadd.f32 v19, v15  }
0x9e: {  	v63 =	vld [tilespmem:$0x24E0];
	v23 =	vadd.f32 v27, v23;
	v17 =	vadd.f32 v35, v17  }
0x9f: {  	v16 =	vld [tilespmem:$0x2840];
	v25 =	vadd.f32 v43, v25;
	v43 =	vadd.f32 v48, v47  }
0xa0: {  	v39 =	vld [tilespmem:$0x2560];
	v24 =	vadd.f32 v57, v24;
	v15 =	vadd.f32 v20, v15  }
0xa1: {  	v40 =	vld [tilespmem:$0x24F0];
	v23 =	vadd.f32 v28, v23;
	v17 =	vadd.f32 v36, v17  }
0xa2: {  	v41 =	vld [tilespmem:$0x2570];
	v25 =	vadd.f32 v44, v25;
	v33 =	vadd.f32 v49, v43  }
0xa3: {  	v42 =	vld [tilespmem:$0x25E0];
	v18 =	vadd.f32 v58, v24;
	v15 =	vadd.f32 v21, v15  }
0xa4: {  	v44 =	vld [tilespmem:$0x25F0];
	v23 =	vadd.f32 v29, v23;
	v25 =	vadd.f32 v45, v25  }
0xa5: {  	v17 =	vadd.f32 v37, v17;
	v45 =	vld [tilespmem:$0x2660];
	v21 =	vadd.f32 v39, v63  }
0xa6: {  	v48 =	vadd.f32 v50, v33;
	v25 =	vadd.f32 v46, v25;
	v46 =	vld [tilespmem:$0x2670]  }
0xa7: {  	v47 =	vld [tilespmem:$0x26E0];
	v15 =	vadd.f32 v22, v15;
	v22 =	vadd.f32 v41, v40  }
0xa8: {  	v49 =	vld [tilespmem:$0x26F0];
	v18 =	vadd.f32 v59, v18;
	v21 =	vadd.f32 v42, v21  }
0xa9: {  	v50 =	vld [tilespmem:$0x2760];
	v23 =	vadd.f32 v30, v23;
	v22 =	vadd.f32 v44, v22  }
0xaa: {  	v32 =	vadd.f32 v51, v48;
	v51 =	vld [tilespmem:$0x2770];
	v21 =	vadd.f32 v45, v21  }
0xab: {  	v54 =	vld [tilespmem:$0x27E0];
	v17 =	vadd.f32 v38, v17;
	v22 =	vadd.f32 v46, v22  }
0xac: {  	v56 =	vld [tilespmem:$0x27F0];
	v55 =	vadd.f32 v52, v32;
	v21 =	vadd.f32 v47, v21  }
0xad: {  	v58 =	vld [tilespmem:$0x2860];
	v18 =	vadd.f32 v60, v18;
	v57 =	vadd.f32 v49, v22  }
0xae: {  	v59 =	vld [tilespmem:$0x2870];
	[tilespmem:$0x2400] =	vst v15;
	v15 =	vadd.f32 v53, v55;
	v21 =	vadd.f32 v50, v21  }
0xaf: {  	[tilespmem:$0x2410] =	vst v23;
	v18 =	vadd.f32 v61, v18;
	v19 =	vadd.f32 v51, v57  }
0xb0: {  	[tilespmem:$0x2420] =	vst v17;
	v15 =	vadd.f32 v16, v15;
	v60 =	vadd.f32 v54, v21  }
0xb1: {  	[tilespmem:$0x2430] =	vst v25;
	v61 =	vadd.f32 v62, v18;
	v62 =	vadd.f32 v56, v19  }
0xb2: {  	[tilespmem:$0x2440] =	vst v15;
	v15 =	vadd.f32 v58, v60  }
0xb3: {  	[tilespmem:$0x2450] =	vst v61;
	v63 =	vadd.f32 v59, v62  }
0xb4: {  	[tilespmem:$0x2460] =	vst v15  }
.Ltmp9:
0xb5: {  	[tilespmem:$0x2470] =	vst v63;
	(pc) =	sbr.rel .LBB2_15-.Ltmp9, $4  }
0xb6: {  	[hbm4b:s6+s2] =	stream.linear.scatter [tilespmem:s11], [sflag:$0x1], $0x80, $0x38;
	[tilespmem:$0x2900] =	vst v63  }
0xb7: {  	_ =	swait.ge [sflag:s3], $0x80  }
0xb8: {  	[sflag:s3] =	ssyncset.done $0x0  }
0xb9: {  	[sflag:s3] =	ssyncadd.s32 $0xFFFFFF80  }
.LBB2_16:
0xba: {  	_ =	sfence.sel $0x180000  }
0xbb: {  	[bflag:$0x0] =	sbarrier.arrive $0xFFFF  }
0xbc: {  	p0 =	sne.s32 s0, $0x0;
	_ =	strace $0x90000047  }
0xbd: {  	s0 =	sadd.s32 @!p0 $0x100000, s1;
	[bflag:$0x2] =	sbarrier.arrive $0xFFFF  }
0xbe: {  	[sflag:s0] =	ssyncadd.tile.s32 @!p0 $0x1;
	_ =	shalt  }
.Lfunc_end2:
_tile_overlayer_lowered:
.L_overlay_start_2:
0xbf: {  	(tag) =	ssettag $0x2  }
0xc0: {  	s0 =	rddreg [dreg:$0x0];
	s2 =	stileid.u32  }
0xc1: {  	s1 =	rddreg [dreg:$0x1];
	p0 =	sne.s32 s2, $0x0  }
0xc2: {  	s3 =	rddreg [dreg:$0x2];
	[bflag:$0x3] =	sbarrier.arrive $0xFFFF;
	s2 =	simm.s32 @!p0 $0x1C01  }
0xc3: {  	[timem:s3], [sflag:s2] =	dma.local @!p0 [hbm:s0], s1  }
0xc4: {  	s0 =	simm.s32 @!p0 $0x1  }
0xc5: {  	_ =	swait.ge @!p0 [sflag:s0], s1  }
0xc6: {  	s1 =	ssub.s32 @!p0 $0x0, s1;
	[sflag:s0] =	ssyncset.done @!p0 $0x0  }
0xc7: {  	[sflag:s0] =	ssyncadd.s32 @!p0 s1  }
0xc8: {  	[bflag:$0x3] =	sbarrier.arrive $0xFFFF  }
0xc9: {  	_ =	shalt  }

// kernel: _cluster_stats.7.cloned.1.call-start
scs
__scs_entry_jumppad:
0x0: {  	(pc) =	sbr.rel $0x88, $3  }
0x1: {  	(tag) =	ssettag $0x0;
	lr =	simm.s32 $0x1  }
0x2: {  	[smem:$0x3F9E] =	sst lr;
	_ =	strace $0xD0000000  }
0x3: {  	_ = 	snop  }
0x4: {  	_ = 	snop  }
0x5: {  	_ = 	snop  }
0x6: {  	_ = 	snop  }
0x7: {  	_ = 	snop  }
__scs_overlays_trampoline_lowered:
0x8: {  	[smem:$0x3FAD] =	sst s0  }
0x9: {  	[smem:$0x3FAE] =	sst s1  }
0xa: {  	[smem:$0x3FAF] =	sst s2  }
0xb: {  	[smem:$0x3FB0] =	sst s3  }
0xc: {  	[smem:$0x3FB1] =	sst s4  }
0xd: {  	[smem:$0x3FB2] =	sst s5  }
0xe: {  	[smem:$0x3FB3] =	sst s6  }
0xf: {  	[smem:$0x3FB4] =	sst s7  }
0x10: {  	[smem:$0x3FB5] =	sst s8  }
0x11: {  	[smem:$0x3FB6] =	sst s9;
	s0 =	simm.s32 @!p0 $0x0  }
0x12: {  	s1 =	sld [smem:$0x3F9C];
	s0 =	simm.s32 @p0 $0x1  }
0x13: {  	[smem:$0x3FB7] =	sst s0;
	s0 =	simm.s32 @!p1 $0x0  }
0x14: {  	s2 =	sld [smem:$0x3F9B];
	s0 =	simm.s32 @p1 $0x1  }
0x15: {  	[smem:$0x3FB8] =	sst s0;
	s0 =	simm.s32 @!p2 $0x0  }
0x16: {  	s3 =	sld [smem:$0x3FDB];
	s0 =	simm.s32 @p2 $0x1  }
0x17: {  	s4 =	simm.s32 $0x1BF5;
	[smem:$0x3FBA] =	sst s0  }
0x18: {  	s0 =	sld [smem:$0x3F9D];
	_ =	swait.ge [sflag:s4], $0x0  }
0x19: {  	s7 =	sld [smem:$0x3F9E]  }
0x1a: {  	s8 =	sadd.s32 $0xFFFFE003, lr  }
0x1b: {  	s9 =	sadd.s32 $0xFFFFFEF7, lr;
	s5 =	simm.s32 $0xFFFFFFFF;
	p2 =	slt.u32 s8, $0xFFFFF086  }
0x1c: {  	p1 =	slt.u32 s9, $0xF7A;
	s5 =	simm.s32 @!p2 $0x0  }
0x1d: {  	s5 =	simm.s32 @p1 $0x1;
	p0 =	seq.s32 s7, s2  }
0x1e: {  	s7 =	smul.u32 @!p0 $0xF7A, s2;
	p2 =	seq.s32 @!p0 s5, $0x0  }
0x1f: {  	s9 =	smul.u32 $0xF7A, s1;
	s8 =	simm.s32 @!p0 $0x1BF5;
	p2 =	por !p2, p0  }
0x20: {  	[sflag:s8] =	ssyncset.s32 @!p0 $0xFFFFF086;
	s6 =	sadd.s32 @!p0 s3, s7;
	s7 =	simm.s32 @!p0 $0x108  }
0x21: {  	s3 =	sadd.s32 s3, s9;
	s6 =	sadd.s32 @!p0 $0x88, s6;
	s7 =	simm.s32 @p2 $0x1082  }
0x22: {  	[simem:s7], [sflag:s8] =	dma.local @!p0 [hbm:s6], $0xF7A  }
0x23: {  	s9 =	sor.u32 $0xD0000000, s2;
	s6 =	simm.s32 $0x108;
	_ =	swait.ge @!p0 [sflag:s8], $0x0  }
0x24: {  	s3 =	sadd.s32 $0x88, s3;
	s6 =	simm.s32 @!p1 $0x1082;
	[sflag:s4] =	ssyncset.s32 $0xFFFFF086  }
0x25: {  	[simem:s6], [sflag:s4] =	dma.local [hbm:s3], $0xF7A  }
0x26: {  	[smem:$0x3F9E] =	sst s1;
	(tag) =	ssettag s2;
	_ =	strace s9  }
0x27: {  	s1 =	sld [smem:$0x3FAE]  }
0x28: {  	s2 =	sld [smem:$0x3FAF]  }
0x29: {  	s4 =	sld [smem:$0x3FB1]  }
0x2a: {  	p0 =	seq.s32 s5, $0x0;
	s5 =	sld [smem:$0x3FB2]  }
0x2b: {  	s6 =	sld [smem:$0x3FB3]  }
0x2c: {  	s7 =	sld [smem:$0x3FB4]  }
0x2d: {  	s3 =	simm.s32 $0x108;
	s8 =	sld [smem:$0x3FB5]  }
0x2e: {  	s3 =	simm.s32 @!p0 $0x1082;
	s9 =	sld [smem:$0x3FB6]  }
0x2f: {  	lr =	sadd.s32 s0, s3;
	s0 =	sld [smem:$0x3FAD]  }
0x30: {  	s3 =	sld [smem:$0x3FB0]  }
0x31: {  	[smem:$0x3FB9] =	sst s10  }
0x32: {  	s10 =	sld [smem:$0x3FB7];
	_ =	sdelay $0x3  }
0x33: {  	p0 =	seq.s32 s10, $0x1;
	s10 =	sld [smem:$0x3FB9];
	_ =	sdelay $0x3  }
0x34: {  	[smem:$0x3FB9] =	sst s10  }
0x35: {  	s10 =	sld [smem:$0x3FB8];
	_ =	sdelay $0x3  }
0x36: {  	p1 =	seq.s32 s10, $0x1;
	s10 =	sld [smem:$0x3FB9];
	_ =	sdelay $0x3  }
0x37: {  	[smem:$0x3FB9] =	sst s10  }
0x38: {  	s10 =	sld [smem:$0x3FBA]  }
0x39: {  	_ = 	snop;
	(pc) =	sbr.ind lr, $3  }
0x3a: {  	_ = 	snop  }
0x3b: {  	_ = 	snop  }
0x3c: {  	p2 =	seq.s32 s10, $0x1;
	s10 =	sld [smem:$0x3FB9]  }
0x3d: {  	_ =	shalt  }
0x3e: {  	_ =	shalt  }
0x3f: {  	_ =	shalt  }
0x40: {  	_ =	shalt  }
0x41: {  	_ =	shalt  }
0x42: {  	_ =	shalt  }
0x43: {  	_ =	shalt  }
0x44: {  	_ =	shalt  }
0x45: {  	_ =	shalt  }
0x46: {  	_ =	shalt  }
0x47: {  	_ =	shalt  }
0x48: {  	_ =	shalt  }
0x49: {  	_ =	shalt  }
0x4a: {  	_ =	shalt  }
0x4b: {  	_ =	shalt  }
0x4c: {  	_ =	shalt  }
0x4d: {  	_ =	shalt  }
0x4e: {  	_ =	shalt  }
0x4f: {  	_ =	shalt  }
0x50: {  	_ =	shalt  }
0x51: {  	_ =	shalt  }
0x52: {  	_ =	shalt  }
0x53: {  	_ =	shalt  }
0x54: {  	_ =	shalt  }
0x55: {  	_ =	shalt  }
0x56: {  	_ =	shalt  }
0x57: {  	_ =	shalt  }
0x58: {  	_ =	shalt  }
0x59: {  	_ =	shalt  }
0x5a: {  	_ =	shalt  }
0x5b: {  	_ =	shalt  }
0x5c: {  	_ =	shalt  }
0x5d: {  	_ =	shalt  }
0x5e: {  	_ =	shalt  }
0x5f: {  	_ =	shalt  }
0x60: {  	_ =	shalt  }
0x61: {  	_ =	shalt  }
0x62: {  	_ =	shalt  }
0x63: {  	_ =	shalt  }
0x64: {  	_ =	shalt  }
0x65: {  	_ =	shalt  }
0x66: {  	_ =	shalt  }
0x67: {  	_ =	shalt  }
0x68: {  	_ =	shalt  }
0x69: {  	_ =	shalt  }
0x6a: {  	_ =	shalt  }
0x6b: {  	_ =	shalt  }
0x6c: {  	_ =	shalt  }
0x6d: {  	_ =	shalt  }
0x6e: {  	_ =	shalt  }
0x6f: {  	_ =	shalt  }
0x70: {  	_ =	shalt  }
0x71: {  	_ =	shalt  }
0x72: {  	_ =	shalt  }
0x73: {  	_ =	shalt  }
0x74: {  	_ =	shalt  }
0x75: {  	_ =	shalt  }
0x76: {  	_ =	shalt  }
0x77: {  	_ =	shalt  }
0x78: {  	_ =	shalt  }
0x79: {  	_ =	shalt  }
0x7a: {  	_ =	shalt  }
0x7b: {  	_ =	shalt  }
0x7c: {  	_ =	shalt  }
0x7d: {  	_ =	shalt  }
0x7e: {  	_ =	shalt  }
0x7f: {  	_ =	shalt  }
0x80: {  	_ =	shalt  }
0x81: {  	_ =	shalt  }
0x82: {  	_ =	shalt  }
0x83: {  	_ =	shalt  }
0x84: {  	_ =	shalt  }
0x85: {  	_ =	shalt  }
0x86: {  	_ =	shalt  }
0x87: {  	_ =	shalt  }
.Lfunc_end0:
.L_simem_size_0:
called_computation.1_lowered:
.L_overlay_start_0:
0x88: {  	s2 =	sld [smem:$0x3FD9]  }
0x89: {  	s3 =	sld [smem:$0x3FFE];
	_ =	sdelay $0x1  }
0x8a: {  	s1 =	srdreg.scid  }
0x8b: {  	s0 =	sand.u32 $0x1, s1  }
0x8c: {  	s16 =	sshll.u32 s0, $0xA;
	s2 =	sadd.s32 s3, s2  }
0x8d: {  	s2 =	sadd.s32 s2, s16  }
0x8e: {  	[smem:$0x3FC5] =	sst s2  }
0x8f: {  	_ = 	snop  }
0x90: {  	s5 =	sld [smem:$0x3FD0]  }
0x91: {  	s2 =	sld [smem:$0x3FC9]  }
0x92: {  	s17 =	sld [smem:$0x3FC8]  }
0x93: {  	s6 =	simm.s32 $0xB;
	s7 =	simm.s32 $0x10;
	s4 =	sld [smem:$0x3FC7]  }
0x94: {  	[smem:s7], [sflag:s6] =	dma.local [hbm:s5], $0x1  }
0x95: {  	_ =	swait.eq [sflag:s6], $0x1  }
0x96: {  	[sflag:s6] =	ssyncset.done $0x0  }
0x97: {  	[sflag:s6] =	ssyncadd.s32 $0xFFFFFFFF  }
0x98: {  	s18 =	sld [smem:$0x11];
	(tm) =	ssettm $0x1  }
0x99: {  	s19 =	sld [smem:$0x3FFB];
	_ =	sdelay $0x3  }
0x9a: {  	_ =	strace s19  }
0x9b: {  	s5 =	sld [smem:$0x3FFC];
	_ =	sdelay $0x3  }
0x9c: {  	_ =	strace s5  }
0x9d: {  	s5 =	sld [smem:$0x3FFD];
	_ =	sdelay $0x3  }
0x9e: {  	_ =	strace s5  }
0x9f: {  	_ =	strace $0x8FFFFFFF  }
0xa0: {  	s20 =	sld [smem:$0x3FDB];
	_ =	sdelay $0x1  }
0xa1: {  	s21 =	simm.s32 $_scs_section_size  }
0xa2: {  	s8 =	simm.s32 $_size__tile_overlayer_lowered;
	s9 =	simm.s32 $_tile_overlayer_lowered  }
0xa3: {  	s10 =	simm.s32 $0x1BFF;
	s22 =	sshll.u32 s9, $0x1;
	s7 =	sadd.s32 s21, s20  }
0xa4: {  	s23 =	simm.s32 $0x0;
	s8 =	sshll.u32 s8, $0x1;
	s9 =	sadd.s32 s22, s7  }
0xa5: {  	[timem:s23], [sflag:s10] =	dma.local [hbm:s9], s8  }
0xa6: {  	_ =	swait.ge [sflag:s10], s8  }
0xa7: {  	s8 =	ssub.s32 $0x0, s8;
	[sflag:s10] =	ssyncset.done $0x0  }
0xa8: {  	[sflag:s10] =	ssyncadd.s32 s8;
	_ =	sdelay $0x1  }
0xa9: {  	s24 =	simm.s32 $0x1B8B  }
0xaa: {  	_ =	swait.ge [sflag:s24], $0x1  }
0xab: {  	[sflag:s24] =	ssyncset.done $0x0  }
0xac: {  	[sflag:s24] =	ssyncadd.s32 $0xFFFFFFFF  }
0xad: {  	s8 =	sld [smem:$0x0]  }
0xae: {  	s9 =	sand.u32 $0xFFFFFFFE, s1  }
0xaf: {  	p0 =	sne.s32 s1, s9  }
0xb0: {  	s9 =	sshll.u32 @p0 s9, $0xE  }
0xb1: {  	s9 =	sadd.s32 @p0 $0x11B8D, s9;
	s10 =	sshll.u32 @p0 s8, $0x11  }
0xb2: {  	s9 =	sor.u32 @p0 s10, s9  }
0xb3: {  	[sflag:s9] =	ssyncadd.remote.s32 @p0 $0x1;
	_ =	sdelay $0x1  }
0xb4: {  	s9 =	simm.s32 @p0 $0x1B8D  }
0xb5: {  	_ =	swait.eq @p0 [sflag:s9], $0x1  }
0xb6: {  	[sflag:s9] =	ssyncadd.s32 @p0 $0xFFFFFFFF  }
0xb7: {  	s10 =	sshll.u32 @!p0 s1, $0xE  }
0xb8: {  	s10 =	sor.u32 @!p0 $0x4000, s10;
	s9 =	simm.s32 @!p0 $0x1B8D  }
0xb9: {  	s8 =	sshll.u32 @!p0 s8, $0x11;
	s10 =	sadd.s32 @!p0 $0x11B8D, s10;
	_ =	swait.eq @!p0 [sflag:s9], $0x1  }
0xba: {  	s8 =	sor.u32 @!p0 s8, s10;
	[sflag:s9] =	ssyncadd.s32 @!p0 $0xFFFFFFFF  }
0xbb: {  	s25 =	simm.s32 $0x1B8E;
	[sflag:s8] =	ssyncadd.remote.s32 @!p0 $0x1  }
0xbc: {  	s26 =	simm.s32 $execute0_lowered;
	[smem:$0x3FD2] =	sst s25  }
0xbd: {  	s8 =	sshll.u32 s26, $0x1;
	_ =	strace $0x80000049;
	[dreg:$0x1] =	wrdreg $0xFFFFFFFF  }
0xbe: {  	s28 =	simm.s32 $_size_execute0_lowered;
	s7 =	sadd.s32 s7, s8;
	[dreg:$0x0] =	wrdreg $0x0  }
0xbf: {  	s8 =	sshll.u32 s28, $0x1;
	[dreg:$0x2] =	wrdreg s7  }
0xc0: {  	[dreg:$0x3] =	wrdreg s8  }
0xc1: {  	[dreg:$0x4] =	wrdreg $0xC0  }
0xc2: {  	_ =	task [dreg:s23], $0x5FFFF  }
0xc3: {  	[dreg:$0x1] =	wrdreg $0xFFFFFFFF  }
0xc4: {  	[dreg:$0x0] =	wrdreg $0x60  }
0xc5: {  	[dreg:$0x2] =	wrdreg s2  }
0xc6: {  	[dreg:$0x3] =	wrdreg s17  }
0xc7: {  	[dreg:$0x4] =	wrdreg s4  }
0xc8: {  	[dreg:$0x5] =	wrdreg s18  }
0xc9: {  	[dreg:$0x6] =	wrdreg $0x79000  }
0xca: {  	[dreg:$0x7] =	wrdreg $0xA  }
0xcb: {  	_ =	task.clear_ibuf [dreg:s23], $0x8FFFF;
	_ =	strace $0x90000049  }
0xcc: {  	s29 =	simm.s32 $0xA;
	_ =	strace $0x8000004B  }
0xcd: {  	_ =	swait.ge [sflag:s29], $0x1  }
0xce: {  	[sflag:s29] =	ssyncadd.s32 $0xFFFFFFFF  }
0xcf: {  	_ =	strace $0x9000004B  }
0xd0: {  	_ =	sfence  }
0xd1: {  	s30 =	sld [smem:$0x0];
	_ =	sdelay $0x2  }
0xd2: {  	s31 =	sshll.u32 s1, $0xD;
	s1 =	sshrl.u32 s1, $0x2  }
0xd3: {  	s3 =	sand.u32 $0x4000, s31;
	s1 =	sadd.s32 s1, s30  }
0xd4: {  	s0 =	sor.u32 s3, s0;
	s1 =	sshll.u32 s1, $0x11  }
0xd5: {  	s0 =	sor.u32 s1, s0  }
0xd6: {  	s0 =	sadd.s32 $0x8F2B, s0  }
0xd7: {  	[sflag:s0] =	ssyncadd.remote.s32 $0x1  }
0xd8: {  	_ =	sfence.sel $0xFFFF  }
0xd9: {  	[dreg:$0x0] =	wrdreg $0xFFFFFFFF;
	(pc) =	sbr.abs _section_cstart, $3  }
0xda: {  	[dreg:$0x1] =	wrdreg $0xFFFFFFFF  }
0xdb: {  	_ =	task.clear_ibuf [dreg:s23], $0x2FFFF;
	_ =	strace $0x9FFFFFFF  }
0xdc: {  	(tm) =	ssettm $0x7FFFFFFF  }
0xdd: {  	_ =	shalt  }
tec
execute0_lowered:
.L_overlay_start_1:
0x0: {  	(tag) =	ssettag $0x1  }
0x1: {  	s5 =	rddreg [dreg:$0x0]  }
0x2: {  	s6 =	rddreg [dreg:$0x1]  }
0x3: {  	s7 =	rddreg [dreg:$0x2]  }
0x4: {  	s0 =	srdreg.scid;
	s2 =	simm.s32 $0x1;
	s8 =	rddreg [dreg:$0x3]  }
0x5: {  	s9 =	rddreg [dreg:$0x4];
	s15 =	simm.s32 $0x6400;
	s3 =	sand.u32 $0x1, s0  }
0x6: {  	s16 =	simm.s32 $0x6800;
	s0 =	stileid.u32;
	s1 =	sshll.u32 s3, $0x4  }
0x7: {  	s17 =	simm.s32 $0x6C00;
	s4 =	sand.u32 $0x7, s0;
	s1 =	sor.u32 s0, s1  }
0x8: {  	s18 =	simm.s32 $0x7000;
	p0 =	sne.s32 s4, $0x0;
	p1 =	seq.s32 s1, $0x0  }
0x9: {  	s19 =	simm.s32 $0x0;
	s25 =	simm.s32 $0x20;
	p1 =	por !p0, !p1  }
0xa: {  	s3 =	ssub.s32 $0x2, s3;
	s14 =	sshll.u32 s0, $0x8;
	p1 =	por !p1, !p1  }
0xb: {  	s4 =	sshll.u32 s4, $0xF;
	s1 =	sshrl.u32 s1, $0x3;
	s2 =	simm.s32 @!p1 $0x0  }
0xc: {  	s30 =	sshrl.u32 s3, $0x1;
	s10 =	ssub.s32 s1, s2;
	s1 =	rddreg [dreg:$0x5]  }
0xd: {  	v0 =	vlaneseq.u32;
	s2 =	simm.s32 $0x0;
	s11 =	sshrl.u32 s10, $0x2;
	s10 =	sshll.u32 s10, $0x7  }
0xe: {  	v1 =	vmul.u32 $0x2, v0;
	[smem:$0x7FF] =	sst s2;
	s12 =	sshll.u32 s11, $0x12;
	s10 =	sand.u32 $0x180, s10  }
0xf: {  	v2 =	vimm.f32 $0.0e+00;
	v3 =	vmul.u32 $0x10, v0;
	_ =	strace $0x8000004A;
	s11 =	sshll.u32 s11, $0xA;
	s4 =	sor.u32 s4, s12  }
0x10: {  	v4 =	vor.u32 $0x1, v1;
	v5 =	vor.u32 $0x80, v1;
	v6 =	vor.u32 $0x81, v1;
	s12 =	ssub.s32 s3, s30;
	s3 =	simm.s32 $0x1;
	s4 =	sor.u32 s10, s4  }
.Ltmp0:
0x11: {  	v7 =	vor.u32 $0x100, v3;
	v8 =	vor.u32 $0x20, v1;
	v9 =	vor.u32 $0x21, v1;
	s10 =	sor.u32 s10, s11;
	s11 =	simm.s32 $0x200;
	(pc) =	sbr.rel .LBB2_1-.Ltmp0, $4  }
0x12: {  	v10 =	vor.u32 $0xA0, v1;
	v11 =	vor.u32 $0xA1, v1;
	v12 =	vor.u32 $0x200, v3;
	s13 =	sshrl.u32 s4, $0x3;
	s31 =	sshrl.u32 s10, $0x3;
	s10 =	simm.s32 $0x80  }
0x13: {  	v13 =	vor.u32 $0x40, v1;
	v14 =	vor.u32 $0x41, v1;
	v15 =	vor.u32 $0xC0, v1;
	s4 =	sadd.s32 s5, s13;
	s5 =	sadd.s32 s6, s13;
	s6 =	sadd.s32 s7, s13  }
0x14: {  	v16 =	vor.u32 $0xC1, v1;
	v17 =	vor.u32 $0x300, v3;
	v18 =	vor.u32 $0x60, v1;
	s7 =	sadd.s32 s14, s9;
	s8 =	sadd.s32 s8, s31;
	s9 =	smax.u32 s12, $0x1  }
0x15: {  	v19 =	vor.u32 $0x61, v1;
	v20 =	vor.u32 $0xE0, v1;
	v21 =	vor.u32 $0xE1, v1;
	s12 =	simm.s32 $0x2000;
	s13 =	simm.s32 $0x4000;
	s14 =	simm.s32 $0x6000  }
.LBB2_40:
0x16: {  	v23 =	vld [tilespmem:s22+$0x0];
	_ =	sdelay $0x1  }
0x17: {  	v24 =	vld [tilespmem:s21+$0x7300];
	_ =	sdelay $0x1  }
0x18: {  	v25 =	vld [tilespmem:s21+$0x7400]  }
0x19: {  	v22 =	vadd.f32 v22, v23  }
0x1a: {  	v23 =	vld [tilespmem:s21+$0x7500]  }
0x1b: {  	v22 =	vadd.f32 v24, v22  }
0x1c: {  	v62 =	vld [tilespmem:s21+$0x7600]  }
0x1d: {  	v22 =	vadd.f32 v25, v22  }
0x1e: {  	v63 =	vld [tilespmem:s21+$0x7700]  }
0x1f: {  	v22 =	vadd.f32 v23, v22  }
0x20: {  	v23 =	vld [tilespmem:s21+$0x7800]  }
0x21: {  	v22 =	vadd.f32 v62, v22;
	_ =	sdelay $0x1  }
0x22: {  	v22 =	vadd.f32 v63, v22;
	_ =	sdelay $0x1  }
0x23: {  	v22 =	vadd.f32 v23, v22  }
0x24: {  	s20 =	sadd.s32 $0x10, s20  }
0x25: {  	[tilespmem:s20+$0x0] =	vst v22  }
0x26: {  	[hbm4b:s8+s10] =	stream.strided.scatter [tilespmem:s18], [sflag:$0x1], $0x100, s11, s10, $0x38;
	[tilespmem:$0x7A00] =	vst v63  }
0x27: {  	_ =	swait.ge [sflag:s3], $0x100  }
0x28: {  	[sflag:s3] =	ssyncset.done $0x0  }
0x29: {  	[sflag:s3] =	ssyncadd.s32 $0xFFFFFF00  }
.LBB2_41:
0x2a: {  	s19 =	sadd.s32 $0x1, s19  }
0x2b: {  	p1 =	sne.s32 s19, s9  }
.Ltmp1:
0x2c: {  	_ = 	snop;
	(pc) =	sbr.rel @!p1 .LBB2_42-.Ltmp1, $1  }
0x2d: {  	_ =	sdelay $0x3  }
.LBB2_1:
0x2e: {  	[tilespmem:s2], [sflag:$0x1] =	stream.strided.gather [hbm4b:s4+s10], $0x2000, s11, s10, $0x38;
	[tilespmem:$0x7A00] =	vst v63  }
0x2f: {  	_ =	swait.ge [sflag:s3], $0x2000  }
0x30: {  	[sflag:s3] =	ssyncset.done $0x0  }
0x31: {  	[sflag:s3] =	ssyncadd.s32 $0xFFFFE000  }
0x32: {  	[tilespmem:s12], [sflag:$0x1] =	stream.strided.gather [hbm4b:s5+s10], $0x2000, s11, s10, $0x38;
	[tilespmem:$0x7A00] =	vst v63  }
0x33: {  	_ =	swait.ge [sflag:s3], $0x2000  }
0x34: {  	[sflag:s3] =	ssyncset.done $0x0  }
0x35: {  	[sflag:s3] =	ssyncadd.s32 $0xFFFFE000  }
0x36: {  	[tilespmem:s13], [sflag:$0x1] =	stream.strided.gather [hbm4b:s6+s10], $0x2000, s11, s10, $0x38;
	[tilespmem:$0x7A00] =	vst v63  }
0x37: {  	_ =	swait.ge [sflag:s3], $0x2000  }
0x38: {  	[sflag:s3] =	ssyncset.done $0x0  }
0x39: {  	s20 =	simm.s32 $0x6020;
	[sflag:s3] =	ssyncadd.s32 $0xFFFFE000  }
0x3a: {  	[tilespmem:s20+$0xFFFFFFF0] =	vst v2  }
0x3b: {  	[tilespmem:s20+$0x0] =	vst v2  }
0x3c: {  	[tilespmem:s20+$0x10] =	vst v2  }
0x3d: {  	s22 =	simm.s32 $0x6420;
	[tilespmem:s20+$0xFFFFFFE0] =	vst v2  }
0x3e: {  	[tilespmem:s22+$0xFFFFFFF0] =	vst v2  }
0x3f: {  	[tilespmem:s22+$0x0] =	vst v2  }
0x40: {  	[tilespmem:s22+$0x10] =	vst v2  }
0x41: {  	s23 =	simm.s32 $0x6820;
	[tilespmem:s22+$0xFFFFFFE0] =	vst v2  }
0x42: {  	[tilespmem:s23+$0xFFFFFFF0] =	vst v2  }
0x43: {  	[tilespmem:s23+$0x0] =	vst v2  }
0x44: {  	[tilespmem:s23+$0x10] =	vst v2  }
0x45: {  	s24 =	simm.s32 $0x6C20;
	[tilespmem:s23+$0xFFFFFFE0] =	vst v2  }
0x46: {  	[tilespmem:s24+$0xFFFFFFF0] =	vst v2  }
0x47: {  	[tilespmem:s24+$0x0] =	vst v2  }
0x48: {  	s26 =	simm.s32 $0x0;
	[tilespmem:s24+$0x10] =	vst v2  }
0x49: {  	s28 =	simm.s32 $0x6060;
	s21 =	simm.s32 $0x4020;
	s20 =	simm.s32 $0x2020;
	[tilespmem:s24+$0xFFFFFFE0] =	vst v2  }
.LBB2_2:
0x4a: {  	[tilespmem:s28+$0xFFFFFFF0] =	vst v2;
	s22 =	sadd.s32 $0x40, s22  }
0x4b: {  	s23 =	sadd.s32 $0x40, s23;
	[tilespmem:s22+$0xFFFFFFF0] =	vst v2  }
0x4c: {  	s24 =	sadd.s32 $0x40, s24;
	[tilespmem:s23+$0xFFFFFFF0] =	vst v2  }
0x4d: {  	[tilespmem:s24+$0xFFFFFFF0] =	vst v2  }
0x4e: {  	[tilespmem:s28+$0x0] =	vst v2  }
0x4f: {  	[tilespmem:s22+$0x0] =	vst v2  }
0x50: {  	[tilespmem:s23+$0x0] =	vst v2  }
0x51: {  	[tilespmem:s24+$0x0] =	vst v2  }
0x52: {  	[tilespmem:s28+$0x10] =	vst v2  }
0x53: {  	s26 =	sadd.s32 $0x4, s26;
	[tilespmem:s22+$0x10] =	vst v2  }
0x54: {  	p1 =	slt.u32 s26, $0x3C;
	[tilespmem:s23+$0x10] =	vst v2  }
.Ltmp2:
0x55: {  	[tilespmem:s24+$0x10] =	vst v2;
	(pc) =	sbr.rel @p1 .LBB2_2-.Ltmp2, $4  }
0x56: {  	[tilespmem:s28+$0xFFFFFFE0] =	vst v2  }
0x57: {  	[tilespmem:s22+$0xFFFFFFE0] =	vst v2  }
0x58: {  	[tilespmem:s23+$0xFFFFFFE0] =	vst v2  }
0x59: {  	s28 =	sadd.s32 $0x40, s28;
	[tilespmem:s24+$0xFFFFFFE0] =	vst v2  }
0x5a: {  	v22 =	vld [tilespmem:s25+$0x10]  }
0x5b: {  	v25 =	vld [tilespmem:s25+$0xFFFFFFE0];
	_ =	sdelay $0x1  }
0x5c: {  	v23 =	vld [tilespmem:s25+$0xFFFFFFF0]  }
0x5d: {  	v24 =	vld [tilespmem:s25+$0x0]  }
0x5e: {  	v26 =	vld [tilespmem:s20+$0x10];
	v22 =	vshll.u32 v22, $0x4  }
0x5f: {  	v27 =	vld [tilespmem:s21+$0x10];
	v25 =	vshll.u32 v25, $0x4;
	v22 =	vor.u32 v0, v22  }
0x60: {  	v28 =	vld [tilespmem:s20+$0xFFFFFFE0];
	v25 =	vor.u32 v0, v25  }
0x61: {  	v29 =	vld [tilespmem:s21+$0xFFFFFFE0]  }
0x62: {  	v30 =	vld [tilespmem:s20+$0xFFFFFFF0]  }
0x63: {  	v31 =	vld [tilespmem:s21+$0x0]  }
0x64: {  	[tilespmem:v22+s14+$0x0] =	vst.idx.add.f32.msk $0xffff, v26  }
0x65: {  	v26 =	vmul.f32 v26, v26;
	[tilespmem:v25+s14+$0x0] =	vst.idx.add.f32.msk $0xffff, v28  }
0x66: {  	[tilespmem:v22+s15+$0x0] =	vst.idx.add.f32.msk $0xffff, v27;
	v27 =	vmul.f32 v27, v27  }
0x67: {  	[tilespmem:v22+s16+$0x0] =	vst.idx.add.f32.msk $0xffff, v26  }
0x68: {  	[tilespmem:v22+s17+$0x0] =	vst.idx.add.f32.msk $0xffff, v27;
	v22 =	vshll.u32 v23, $0x4  }
0x69: {  	[tilespmem:v25+s15+$0x0] =	vst.idx.add.f32.msk $0xffff, v29;
	v27 =	vor.u32 v0, v22  }
0x6a: {  	v26 =	vld [tilespmem:s21+$0xFFFFFFF0];
	v22 =	vmul.f32 v28, v28  }
0x6b: {  	v63 =	vmul.f32 v29, v29;
	v24 =	vshll.u32 v24, $0x4;
	v23 =	vld [tilespmem:s20+$0x0]  }
0x6c: {  	[tilespmem:v25+s16+$0x0] =	vst.idx.add.f32.msk $0xffff, v22;
	v22 =	vor.u32 v0, v24  }
0x6d: {  	[tilespmem:v25+s17+$0x0] =	vst.idx.add.f32.msk $0xffff, v63  }
0x6e: {  	v24 =	vmul.f32 v30, v30;
	[tilespmem:v27+s14+$0x0] =	vst.idx.add.f32.msk $0xffff, v30  }
0x6f: {  	[tilespmem:v27+s15+$0x0] =	vst.idx.add.f32.msk $0xffff, v26  }
0x70: {  	v25 =	vmul.f32 v26, v26;
	[tilespmem:v27+s16+$0x0] =	vst.idx.add.f32.msk $0xffff, v24  }
0x71: {  	[tilespmem:v22+s14+$0x0] =	vst.idx.add.f32.msk $0xffff, v23  }
0x72: {  	[tilespmem:v27+s17+$0x0] =	vst.idx.add.f32.msk $0xffff, v25  }
0x73: {  	s22 =	simm.s32 $0x0;
	s23 =	simm.s32 $0x60;
	v23 =	vmul.f32 v23, v23;
	v24 =	vmul.f32 v31, v31;
	[tilespmem:v22+s15+$0x0] =	vst.idx.add.f32.msk $0xffff, v31  }
.LBB2_4:
0x74: {  	v25 =	vld [tilespmem:s23+$0x10]  }
0x75: {  	v26 =	vld [tilespmem:s23+$0xFFFFFFF0]  }
0x76: {  	v27 =	vld [tilespmem:s23+$0x0]  }
0x77: {  	s22 =	sadd.s32 $0x4, s22;
	v28 =	vld [tilespmem:s23+$0xFFFFFFE0]  }
0x78: {  	p1 =	slt.u32 s22, $0x1FC;
	[tilespmem:v22+s16+$0x0] =	vst.idx.add.f32.msk $0xffff, v23  }
0x79: {  	s20 =	sadd.s32 $0x40, s20;
	v23 =	vshll.u32 v25, $0x4;
	[tilespmem:v22+s17+$0x0] =	vst.idx.add.f32.msk $0xffff, v24  }
0x7a: {  	s21 =	sadd.s32 $0x40, s21;
	v22 =	vshll.u32 v26, $0x4;
	v24 =	vld [tilespmem:s20+$0x10];
	v23 =	vor.u32 v0, v23  }
0x7b: {  	v25 =	vor.u32 v0, v22;
	v22 =	vshll.u32 v27, $0x4;
	v26 =	vld [tilespmem:s21+$0x10]  }
0x7c: {  	v27 =	vld [tilespmem:s20+$0xFFFFFFE0];
	v28 =	vshll.u32 v28, $0x4;
	v22 =	vor.u32 v0, v22  }
0x7d: {  	v29 =	vld [tilespmem:s21+$0xFFFFFFE0];
	v28 =	vor.u32 v0, v28  }
0x7e: {  	v30 =	vld [tilespmem:s20+$0xFFFFFFF0]  }
0x7f: {  	[tilespmem:v23+s14+$0x0] =	vst.idx.add.f32.msk $0xffff, v24;
	v24 =	vmul.f32 v24, v24  }
0x80: {  	[tilespmem:v23+s15+$0x0] =	vst.idx.add.f32.msk $0xffff, v26;
	v26 =	vmul.f32 v26, v26  }
0x81: {  	v31 =	vmul.f32 v27, v27;
	[tilespmem:v23+s16+$0x0] =	vst.idx.add.f32.msk $0xffff, v24  }
0x82: {  	v24 =	vmul.f32 v29, v29;
	[tilespmem:v23+s17+$0x0] =	vst.idx.add.f32.msk $0xffff, v26  }
0x83: {  	v26 =	vld [tilespmem:s21+$0xFFFFFFF0];
	v32 =	vmul.f32 v30, v30  }
0x84: {  	v33 =	vld [tilespmem:s20+$0x0]  }
0x85: {  	v34 =	vld [tilespmem:s21+$0x0]  }
0x86: {  	[tilespmem:v28+s14+$0x0] =	vst.idx.add.f32.msk $0xffff, v27  }
0x87: {  	[tilespmem:v28+s15+$0x0] =	vst.idx.add.f32.msk $0xffff, v29  }
0x88: {  	[tilespmem:v28+s16+$0x0] =	vst.idx.add.f32.msk $0xffff, v31;
	v27 =	vmul.f32 v26, v26  }
0x89: {  	[tilespmem:v28+s17+$0x0] =	vst.idx.add.f32.msk $0xffff, v24;
	v23 =	vmul.f32 v33, v33  }
0x8a: {  	[tilespmem:v25+s14+$0x0] =	vst.idx.add.f32.msk $0xffff, v30;
	v24 =	vmul.f32 v34, v34  }
.Ltmp3:
0x8b: {  	[tilespmem:v25+s15+$0x0] =	vst.idx.add.f32.msk $0xffff, v26;
	(pc) =	sbr.rel @p1 .LBB2_4-.Ltmp3, $4  }
0x8c: {  	[tilespmem:v25+s16+$0x0] =	vst.idx.add.f32.msk $0xffff, v32  }
0x8d: {  	[tilespmem:v25+s17+$0x0] =	vst.idx.add.f32.msk $0xffff, v27  }
0x8e: {  	[tilespmem:v22+s14+$0x0] =	vst.idx.add.f32.msk $0xffff, v33  }
0x8f: {  	s23 =	sadd.s32 $0x40, s23;
	[tilespmem:v22+s15+$0x0] =	vst.idx.add.f32.msk $0xffff, v34  }
0x90: {  	_ = 	snop  }
0x91: {  	s20 =	simm.s32 $0x1  }
0x92: {  	v25 =	vor.u32 s20, v3;
	_ =	sdelay $0x1  }
0x93: {  	[tilespmem:v22+s16+$0x0] =	vst.idx.add.f32.msk $0xffff, v23  }
0x94: {  	[tilespmem:v22+s17+$0x0] =	vst.idx.add.f32.msk $0xffff, v24  }
0x95: {  	v22 =	vld.idx.msk [tilespmem:v3+s14+$0x0], $0xffff  }
0x96: {  	s20 =	simm.s32 $0x2;
	v23 =	vld.idx.msk [tilespmem:v25+s14+$0x0], $0xffff  }
.LBB2_6:
0x97: {  	v24 =	vor.u32 s20, v3;
	p1 =	sne.s32 s20, $0xF;
	s20 =	sadd.s32 $0x1, s20  }
.Ltmp4:
0x98: {  	(pc) =	sbr.rel @p1 .LBB2_6-.Ltmp4, $2  }
0x99: {  	_ =	sdelay $0x2  }
0x9a: {  	v22 =	vadd.f32 v23, v22;
	v23 =	vld.idx.msk [tilespmem:v24+s14+$0x0], $0xffff  }
0x9b: {  	_ =	sdelay $0x1  }
0x9c: {  	s20 =	simm.s32 $0x1  }
0x9d: {  	v24 =	vor.u32 s20, v3  }
0x9e: {  	v22 =	vadd.f32 v23, v22;
	_ =	sdelay $0x1  }
0x9f: {  	[tilespmem:v1+s18+$0x0] =	vst.idx.msk $0xffff, v22  }
0xa0: {  	v22 =	vld.idx.msk [tilespmem:v3+s15+$0x0], $0xffff  }
0xa1: {  	s20 =	simm.s32 $0x2;
	v23 =	vld.idx.msk [tilespmem:v24+s15+$0x0], $0xffff  }
.LBB2_8:
0xa2: {  	v24 =	vor.u32 s20, v3;
	p1 =	sne.s32 s20, $0xF;
	s20 =	sadd.s32 $0x1, s20  }
.Ltmp5:
0xa3: {  	(pc) =	sbr.rel @p1 .LBB2_8-.Ltmp5, $2  }
0xa4: {  	_ =	sdelay $0x2  }
0xa5: {  	v22 =	vadd.f32 v23, v22;
	v23 =	vld.idx.msk [tilespmem:v24+s15+$0x0], $0xffff  }
0xa6: {  	_ =	sdelay $0x1  }
0xa7: {  	s20 =	simm.s32 $0x1  }
0xa8: {  	v24 =	vor.u32 s20, v3  }
0xa9: {  	v22 =	vadd.f32 v23, v22;
	_ =	sdelay $0x1  }
0xaa: {  	[tilespmem:v4+s18+$0x0] =	vst.idx.msk $0xffff, v22  }
0xab: {  	v22 =	vld.idx.msk [tilespmem:v3+s16+$0x0], $0xffff  }
0xac: {  	s20 =	simm.s32 $0x2;
	v23 =	vld.idx.msk [tilespmem:v24+s16+$0x0], $0xffff  }
.LBB2_10:
0xad: {  	v24 =	vor.u32 s20, v3;
	p1 =	sne.s32 s20, $0xF;
	s20 =	sadd.s32 $0x1, s20  }
.Ltmp6:
0xae: {  	(pc) =	sbr.rel @p1 .LBB2_10-.Ltmp6, $2  }
0xaf: {  	_ =	sdelay $0x2  }
0xb0: {  	v22 =	vadd.f32 v23, v22;
	v23 =	vld.idx.msk [tilespmem:v24+s16+$0x0], $0xffff  }
0xb1: {  	_ =	sdelay $0x1  }
0xb2: {  	s20 =	simm.s32 $0x1  }
0xb3: {  	v24 =	vor.u32 s20, v3  }
0xb4: {  	v22 =	vadd.f32 v23, v22;
	_ =	sdelay $0x1  }
0xb5: {  	[tilespmem:v5+s18+$0x0] =	vst.idx.msk $0xffff, v22  }
0xb6: {  	v22 =	vld.idx.msk [tilespmem:v3+s17+$0x0], $0xffff  }
0xb7: {  	s20 =	simm.s32 $0x2;
	v23 =	vld.idx.msk [tilespmem:v24+s17+$0x0], $0xffff  }
.LBB2_12:
0xb8: {  	v24 =	vor.u32 s20, v3;
	p1 =	sne.s32 s20, $0xF;
	s20 =	sadd.s32 $0x1, s20  }
.Ltmp7:
0xb9: {  	(pc) =	sbr.rel @p1 .LBB2_12-.Ltmp7, $2  }
0xba: {  	_ =	sdelay $0x2  }
0xbb: {  	v22 =	vadd.f32 v23, v22;
	v23 =	vld.idx.msk [tilespmem:v24+s17+$0x0], $0xffff  }
0xbc: {  	_ =	sdelay $0x1  }
0xbd: {  	s20 =	simm.s32 $0x101  }
0xbe: {  	v24 =	vor.u32 s20, v3  }
0xbf: {  	v22 =	vadd.f32 v23, v22;
	_ =	sdelay $0x1  }
0xc0: {  	[tilespmem:v6+s18+$0x0] =	vst.idx.msk $0xffff, v22  }
0xc1: {  	v22 =	vld.idx.msk [tilespmem:v7+s14+$0x0], $0xffff  }
0xc2: {  	s20 =	simm.s32 $0x102;
	v23 =	vld.idx.msk [tilespmem:v24+s14+$0x0], $0xffff  }
.LBB2_14:
0xc3: {  	v24 =	vor.u32 s20, v3;
	p1 =	sne.s32 s20, $0x10F;
	s20 =	sadd.s32 $0x1, s20  }
.Ltmp8:
0xc4: {  	(pc) =	sbr.rel @p1 .LBB2_14-.Ltmp8, $2  }
0xc5: {  	_ =	sdelay $0x2  }
0xc6: {  	v22 =	vadd.f32 v23, v22;
	v23 =	vld.idx.msk [tilespmem:v24+s14+$0x0], $0xffff  }
0xc7: {  	_ =	sdelay $0x1  }
0xc8: {  	s20 =	simm.s32 $0x101  }
0xc9: {  	v24 =	vor.u32 s20, v3  }
0xca: {  	v22 =	vadd.f32 v23, v22;
	_ =	sdelay $0x1  }
0xcb: {  	[tilespmem:v8+s18+$0x0] =	vst.idx.msk $0xffff, v22  }
0xcc: {  	v22 =	vld.idx.msk [tilespmem:v7+s15+$0x0], $0xffff  }
0xcd: {  	s20 =	simm.s32 $0x102;
	v23 =	vld.idx.msk [tilespmem:v24+s15+$0x0], $0xffff  }
.LBB2_16:
0xce: {  	v24 =	vor.u32 s20, v3;
	p1 =	sne.s32 s20, $0x10F;
	s20 =	sadd.s32 $0x1, s20  }
.Ltmp9:
0xcf: {  	(pc) =	sbr.rel @p1 .LBB2_16-.Ltmp9, $2  }
0xd0: {  	_ =	sdelay $0x2  }
0xd1: {  	v22 =	vadd.f32 v23, v22;
	v23 =	vld.idx.msk [tilespmem:v24+s15+$0x0], $0xffff  }
0xd2: {  	_ =	sdelay $0x1  }
0xd3: {  	s20 =	simm.s32 $0x101  }
0xd4: {  	v24 =	vor.u32 s20, v3  }
0xd5: {  	v22 =	vadd.f32 v23, v22;
	_ =	sdelay $0x1  }
0xd6: {  	[tilespmem:v9+s18+$0x0] =	vst.idx.msk $0xffff, v22  }
0xd7: {  	v22 =	vld.idx.msk [tilespmem:v7+s16+$0x0], $0xffff  }
0xd8: {  	s20 =	simm.s32 $0x102;
	v23 =	vld.idx.msk [tilespmem:v24+s16+$0x0], $0xffff  }
.LBB2_18:
0xd9: {  	v24 =	vor.u32 s20, v3;
	p1 =	sne.s32 s20, $0x10F;
	s20 =	sadd.s32 $0x1, s20  }
.Ltmp10:
0xda: {  	(pc) =	sbr.rel @p1 .LBB2_18-.Ltmp10, $2  }
0xdb: {  	_ =	sdelay $0x2  }
0xdc: {  	v22 =	vadd.f32 v23, v22;
	v23 =	vld.idx.msk [tilespmem:v24+s16+$0x0], $0xffff  }
0xdd: {  	_ =	sdelay $0x1  }
0xde: {  	s20 =	simm.s32 $0x101  }
0xdf: {  	v24 =	vor.u32 s20, v3  }
0xe0: {  	v22 =	vadd.f32 v23, v22;
	_ =	sdelay $0x1  }
0xe1: {  	[tilespmem:v10+s18+$0x0] =	vst.idx.msk $0xffff, v22  }
0xe2: {  	v22 =	vld.idx.msk [tilespmem:v7+s17+$0x0], $0xffff  }
0xe3: {  	s20 =	simm.s32 $0x102;
	v23 =	vld.idx.msk [tilespmem:v24+s17+$0x0], $0xffff  }
.LBB2_20:
0xe4: {  	v24 =	vor.u32 s20, v3;
	p1 =	sne.s32 s20, $0x10F;
	s20 =	sadd.s32 $0x1, s20  }
.Ltmp11:
0xe5: {  	(pc) =	sbr.rel @p1 .LBB2_20-.Ltmp11, $2  }
0xe6: {  	_ =	sdelay $0x2  }
0xe7: {  	v22 =	vadd.f32 v23, v22;
	v23 =	vld.idx.msk [tilespmem:v24+s17+$0x0], $0xffff  }
0xe8: {  	_ =	sdelay $0x1  }
0xe9: {  	s20 =	simm.s32 $0x201  }
0xea: {  	v24 =	vor.u32 s20, v3  }
0xeb: {  	v22 =	vadd.f32 v23, v22;
	_ =	sdelay $0x1  }
0xec: {  	[tilespmem:v11+s18+$0x0] =	vst.idx.msk $0xffff, v22  }
0xed: {  	v22 =	vld.idx.msk [tilespmem:v12+s14+$0x0], $0xffff  }
0xee: {  	s20 =	simm.s32 $0x202;
	v23 =	vld.idx.msk [tilespmem:v24+s14+$0x0], $0xffff  }
.LBB2_22:
0xef: {  	v24 =	vor.u32 s20, v3;
	p1 =	sne.s32 s20, $0x20F;
	s20 =	sadd.s32 $0x1, s20  }
.Ltmp12:
0xf0: {  	(pc) =	sbr.rel @p1 .LBB2_22-.Ltmp12, $2  }
0xf1: {  	_ =	sdelay $0x2  }
0xf2: {  	v22 =	vadd.f32 v23, v22;
	v23 =	vld.idx.msk [tilespmem:v24+s14+$0x0], $0xffff  }
0xf3: {  	_ =	sdelay $0x1  }
0xf4: {  	s20 =	simm.s32 $0x201  }
0xf5: {  	v24 =	vor.u32 s20, v3  }
0xf6: {  	v22 =	vadd.f32 v23, v22;
	_ =	sdelay $0x1  }
0xf7: {  	[tilespmem:v13+s18+$0x0] =	vst.idx.msk $0xffff, v22  }
0xf8: {  	v22 =	vld.idx.msk [tilespmem:v12+s15+$0x0], $0xffff  }
0xf9: {  	s20 =	simm.s32 $0x202;
	v23 =	vld.idx.msk [tilespmem:v24+s15+$0x0], $0xffff  }
.LBB2_24:
0xfa: {  	v24 =	vor.u32 s20, v3;
	p1 =	sne.s32 s20, $0x20F;
	s20 =	sadd.s32 $0x1, s20  }
.Ltmp13:
0xfb: {  	(pc) =	sbr.rel @p1 .LBB2_24-.Ltmp13, $2  }
0xfc: {  	_ =	sdelay $0x2  }
0xfd: {  	v22 =	vadd.f32 v23, v22;
	v23 =	vld.idx.msk [tilespmem:v24+s15+$0x0], $0xffff  }
0xfe: {  	_ =	sdelay $0x1  }
0xff: {  	s20 =	simm.s32 $0x201  }
0x100: {  	v24 =	vor.u32 s20, v3  }
0x101: {  	v22 =	vadd.f32 v23, v22;
	_ =	sdelay $0x1  }
0x102: {  	[tilespmem:v14+s18+$0x0] =	vst.idx.msk $0xffff, v22  }
0x103: {  	v22 =	vld.idx.msk [tilespmem:v12+s16+$0x0], $0xffff  }
0x104: {  	s20 =	simm.s32 $0x202;
	v23 =	vld.idx.msk [tilespmem:v24+s16+$0x0], $0xffff  }
.LBB2_26:
0x105: {  	v24 =	vor.u32 s20, v3;
	p1 =	sne.s32 s20, $0x20F;
	s20 =	sadd.s32 $0x1, s20  }
.Ltmp14:
0x106: {  	(pc) =	sbr.rel @p1 .LBB2_26-.Ltmp14, $2  }
0x107: {  	_ =	sdelay $0x2  }
0x108: {  	v22 =	vadd.f32 v23, v22;
	v23 =	vld.idx.msk [tilespmem:v24+s16+$0x0], $0xffff  }
0x109: {  	_ =	sdelay $0x1  }
0x10a: {  	s20 =	simm.s32 $0x201  }
0x10b: {  	v24 =	vor.u32 s20, v3  }
0x10c: {  	v22 =	vadd.f32 v23, v22;
	_ =	sdelay $0x1  }
0x10d: {  	[tilespmem:v15+s18+$0x0] =	vst.idx.msk $0xffff, v22  }
0x10e: {  	v22 =	vld.idx.msk [tilespmem:v12+s17+$0x0], $0xffff  }
0x10f: {  	s20 =	simm.s32 $0x202;
	v23 =	vld.idx.msk [tilespmem:v24+s17+$0x0], $0xffff  }
.LBB2_28:
0x110: {  	v24 =	vor.u32 s20, v3;
	p1 =	sne.s32 s20, $0x20F;
	s20 =	sadd.s32 $0x1, s20  }
.Ltmp15:
0x111: {  	(pc) =	sbr.rel @p1 .LBB2_28-.Ltmp15, $2  }
0x112: {  	_ =	sdelay $0x2  }
0x113: {  	v22 =	vadd.f32 v23, v22;
	v23 =	vld.idx.msk [tilespmem:v24+s17+$0x0], $0xffff  }
0x114: {  	_ =	sdelay $0x1  }
0x115: {  	s20 =	simm.s32 $0x301  }
0x116: {  	v24 =	vor.u32 s20, v3  }
0x117: {  	v22 =	vadd.f32 v23, v22;
	_ =	sdelay $0x1  }
0x118: {  	[tilespmem:v16+s18+$0x0] =	vst.idx.msk $0xffff, v22  }
0x119: {  	v22 =	vld.idx.msk [tilespmem:v17+s14+$0x0], $0xffff  }
0x11a: {  	s20 =	simm.s32 $0x302;
	v23 =	vld.idx.msk [tilespmem:v24+s14+$0x0], $0xffff  }
.LBB2_30:
0x11b: {  	v24 =	vor.u32 s20, v3;
	p1 =	sne.s32 s20, $0x30F;
	s20 =	sadd.s32 $0x1, s20  }
.Ltmp16:
0x11c: {  	(pc) =	sbr.rel @p1 .LBB2_30-.Ltmp16, $2  }
0x11d: {  	_ =	sdelay $0x2  }
0x11e: {  	v22 =	vadd.f32 v23, v22;
	v23 =	vld.idx.msk [tilespmem:v24+s14+$0x0], $0xffff  }
0x11f: {  	_ =	sdelay $0x1  }
0x120: {  	s20 =	simm.s32 $0x301  }
0x121: {  	v24 =	vor.u32 s20, v3  }
0x122: {  	v22 =	vadd.f32 v23, v22;
	_ =	sdelay $0x1  }
0x123: {  	[tilespmem:v18+s18+$0x0] =	vst.idx.msk $0xffff, v22  }
0x124: {  	v22 =	vld.idx.msk [tilespmem:v17+s15+$0x0], $0xffff  }
0x125: {  	s20 =	simm.s32 $0x302;
	v23 =	vld.idx.msk [tilespmem:v24+s15+$0x0], $0xffff  }
.LBB2_32:
0x126: {  	v24 =	vor.u32 s20, v3;
	p1 =	sne.s32 s20, $0x30F;
	s20 =	sadd.s32 $0x1, s20  }
.Ltmp17:
0x127: {  	(pc) =	sbr.rel @p1 .LBB2_32-.Ltmp17, $2  }
0x128: {  	_ =	sdelay $0x2  }
0x129: {  	v22 =	vadd.f32 v23, v22;
	v23 =	vld.idx.msk [tilespmem:v24+s15+$0x0], $0xffff  }
0x12a: {  	_ =	sdelay $0x1  }
0x12b: {  	s20 =	simm.s32 $0x301  }
0x12c: {  	v24 =	vor.u32 s20, v3  }
0x12d: {  	v22 =	vadd.f32 v23, v22;
	_ =	sdelay $0x1  }
0x12e: {  	[tilespmem:v19+s18+$0x0] =	vst.idx.msk $0xffff, v22  }
0x12f: {  	v22 =	vld.idx.msk [tilespmem:v17+s16+$0x0], $0xffff  }
0x130: {  	s20 =	simm.s32 $0x302;
	v23 =	vld.idx.msk [tilespmem:v24+s16+$0x0], $0xffff  }
.LBB2_34:
0x131: {  	v24 =	vor.u32 s20, v3;
	p1 =	sne.s32 s20, $0x30F;
	s20 =	sadd.s32 $0x1, s20  }
.Ltmp18:
0x132: {  	(pc) =	sbr.rel @p1 .LBB2_34-.Ltmp18, $2  }
0x133: {  	_ =	sdelay $0x2  }
0x134: {  	v22 =	vadd.f32 v23, v22;
	v23 =	vld.idx.msk [tilespmem:v24+s16+$0x0], $0xffff  }
0x135: {  	_ =	sdelay $0x1  }
0x136: {  	s20 =	simm.s32 $0x301  }
0x137: {  	v24 =	vor.u32 s20, v3  }
0x138: {  	v22 =	vadd.f32 v23, v22;
	_ =	sdelay $0x1  }
0x139: {  	[tilespmem:v20+s18+$0x0] =	vst.idx.msk $0xffff, v22  }
0x13a: {  	v22 =	vld.idx.msk [tilespmem:v17+s17+$0x0], $0xffff  }
0x13b: {  	s20 =	simm.s32 $0x302;
	v23 =	vld.idx.msk [tilespmem:v24+s17+$0x0], $0xffff  }
.LBB2_36:
0x13c: {  	v24 =	vor.u32 s20, v3;
	p1 =	sne.s32 s20, $0x30F;
	s20 =	sadd.s32 $0x1, s20  }
.Ltmp19:
0x13d: {  	(pc) =	sbr.rel @p1 .LBB2_36-.Ltmp19, $2  }
0x13e: {  	_ =	sdelay $0x2  }
0x13f: {  	v22 =	vadd.f32 v23, v22;
	v23 =	vld.idx.msk [tilespmem:v24+s17+$0x0], $0xffff  }
0x140: {  	_ =	sdelay $0x3  }
0x141: {  	v22 =	vadd.f32 v23, v22;
	_ =	sdelay $0x1  }
0x142: {  	[tilespmem:v21+s18+$0x0] =	vst.idx.msk $0xffff, v22  }
0x143: {  	[spmem:s7] =	stream.linear.scatter [tilespmem:s18], [sflag:$0x1], $0x100, $0x38;
	[tilespmem:$0x7A00] =	vst v63  }
.Ltmp20:
0x144: {  	_ =	swait.ge [sflag:s3], $0x100;
	(pc) =	sbr.rel @p0 .LBB2_41-.Ltmp20, $3  }
0x145: {  	[sflag:s3] =	ssyncset.done $0x0  }
0x146: {  	[sflag:s3] =	ssyncadd.s32 $0xFFFFFF00  }
0x147: {  	[bflag:$0x0] =	sbarrier.arrive $0xFFFF;
	_ =	sdelay $0x1  }
0x148: {  	s20 =	simm.s32 $0x7100  }
0x149: {  	[tilespmem:s20], [sflag:$0x1] =	stream.linear.gather [spmem:s7], $0x800, $0x38;
	[tilespmem:$0x7A00] =	vst v63  }
0x14a: {  	_ =	swait.ge [sflag:s3], $0x800  }
0x14b: {  	s21 =	simm.s32 $0x0;
	[sflag:s3] =	ssyncset.done $0x0  }
0x14c: {  	s21 =	sand.u32 $0xF0, s21;
	[sflag:s3] =	ssyncadd.s32 $0xFFFFF800  }
0x14d: {  	v22 =	vld [tilespmem:s21+$0x7200]  }
0x14e: {  	v23 =	vld [tilespmem:s20+$0x0];
	_ =	sdelay $0x1  }
0x14f: {  	v24 =	vld [tilespmem:s21+$0x7300];
	_ =	sdelay $0x1  }
0x150: {  	v25 =	vld [tilespmem:s21+$0x7400]  }
0x151: {  	v22 =	vadd.f32 v22, v23  }
0x152: {  	v23 =	vld [tilespmem:s21+$0x7500]  }
0x153: {  	v22 =	vadd.f32 v24, v22  }
0x154: {  	v62 =	vld [tilespmem:s21+$0x7600]  }
0x155: {  	v22 =	vadd.f32 v25, v22  }
0x156: {  	v63 =	vld [tilespmem:s21+$0x7700]  }
0x157: {  	v22 =	vadd.f32 v23, v22  }
0x158: {  	v23 =	vld [tilespmem:s21+$0x7800]  }
0x159: {  	v22 =	vadd.f32 v62, v22;
	_ =	sdelay $0x1  }
0x15a: {  	v22 =	vadd.f32 v63, v22;
	_ =	sdelay $0x1  }
0x15b: {  	v22 =	vadd.f32 v23, v22  }
0x15c: {  	s31 =	simm.s32 $0x10;
	s20 =	simm.s32 $0x7000  }
0x15d: {  	s21 =	sand.u32 $0xF0, s31;
	[tilespmem:s20+$0x0] =	vst v22  }
0x15e: {  	s23 =	simm.s32 $0x20;
	s22 =	simm.s32 $0x7110;
	v22 =	vld [tilespmem:s21+$0x7200]  }
.LBB2_39:
0x15f: {  	p1 =	sne.s32 s23, $0xF0;
	v23 =	vld [tilespmem:s22+$0x0];
	_ =	sdelay $0x1  }
0x160: {  	v24 =	vld [tilespmem:s21+$0x7300];
	_ =	sdelay $0x1  }
0x161: {  	v25 =	vld [tilespmem:s21+$0x7400]  }
0x162: {  	v22 =	vadd.f32 v22, v23  }
0x163: {  	v23 =	vld [tilespmem:s21+$0x7500]  }
0x164: {  	v22 =	vadd.f32 v24, v22  }
0x165: {  	v24 =	vld [tilespmem:s21+$0x7600]  }
0x166: {  	v22 =	vadd.f32 v25, v22  }
0x167: {  	v25 =	vld [tilespmem:s21+$0x7700]  }
0x168: {  	v22 =	vadd.f32 v23, v22  }
0x169: {  	v23 =	vld [tilespmem:s21+$0x7800]  }
0x16a: {  	v22 =	vadd.f32 v24, v22;
	_ =	sdelay $0x1  }
0x16b: {  	v22 =	vadd.f32 v25, v22  }
.Ltmp21:
0x16c: {  	(pc) =	sbr.rel @p1 .LBB2_39-.Ltmp21, $4  }
0x16d: {  	v22 =	vadd.f32 v23, v22  }
0x16e: {  	s20 =	sadd.s32 $0x10, s20  }
0x16f: {  	s21 =	sand.u32 $0xF0, s23;
	[tilespmem:s20+$0x0] =	vst v22  }
0x170: {  	s22 =	sadd.s32 $0x10, s22;
	s23 =	sadd.s32 $0x10, s23;
	v22 =	vld [tilespmem:s21+$0x7200]  }
.Ltmp22:
0x171: {  	_ = 	snop;
	(pc) =	sbr.rel .LBB2_40-.Ltmp22, $1  }
0x172: {  	_ =	sdelay $0x3  }
.LBB2_42:
0x173: {  	_ =	sfence.sel $0x180000  }
0x174: {  	[bflag:$0x0] =	sbarrier.arrive $0xFFFF  }
0x175: {  	p0 =	sne.s32 s0, $0x0;
	_ =	strace $0x9000004A  }
0x176: {  	s0 =	sadd.s32 @!p0 $0x100000, s1;
	[bflag:$0x2] =	sbarrier.arrive $0xFFFF  }
0x177: {  	[sflag:s0] =	ssyncadd.tile.s32 @!p0 $0x1;
	_ =	shalt  }
.Lfunc_end2:
_tile_overlayer_lowered:
.L_overlay_start_2:
0x178: {  	(tag) =	ssettag $0x2  }
0x179: {  	s0 =	rddreg [dreg:$0x0];
	s2 =	stileid.u32  }
0x17a: {  	s1 =	rddreg [dreg:$0x1];
	p0 =	sne.s32 s2, $0x0  }
0x17b: {  	s3 =	rddreg [dreg:$0x2];
	[bflag:$0x3] =	sbarrier.arrive $0xFFFF;
	s2 =	simm.s32 @!p0 $0x1C01  }
0x17c: {  	[timem:s3], [sflag:s2] =	dma.local @!p0 [hbm:s0], s1  }
0x17d: {  	s0 =	simm.s32 @!p0 $0x1  }
0x17e: {  	_ =	swait.ge @!p0 [sflag:s0], s1  }
0x17f: {  	s1 =	ssub.s32 @!p0 $0x0, s1;
	[sflag:s0] =	ssyncset.done @!p0 $0x0  }
0x180: {  	[sflag:s0] =	ssyncadd.s32 @!p0 s1  }
0x181: {  	[bflag:$0x3] =	sbarrier.arrive $0xFFFF  }
0x182: {  	_ =	shalt  }

</sc_bundles>
